<compile_context>
chip_gen: v7x
topology: tpu7x:2x2x1
jax: 0.10.2.dev20260603
libtpu: 0.0.44.dev20260713+nightly
codegen_flags: <defaults>
</compile_context>

<pallas_src>
import functools

import jax
import jax.numpy as jnp
from jax import lax
from jax.experimental import pallas as pl
from jax.experimental.pallas import tpu as pltpu
from jax.experimental.pallas import tpu_sc as plsc

_B = 16384
_D = 128
_NC = 2
_NS = 16
_NW = _NC * _NS
_RPW = _B // _NW
_CHUNK = 64
_NCHUNK = _RPW // _CHUNK
_LANES = 16
_VPR = _D // _LANES

_mesh = plsc.VectorSubcoreMesh(core_axis_name="c", subcore_axis_name="s")


def _tree_sum(vals):
    vals = list(vals)
    while len(vals) > 1:
        nxt = [vals[i] + vals[i + 1] for i in range(0, len(vals) - 1, 2)]
        if len(vals) % 2:
            nxt.append(vals[-1])
        vals = nxt
    return vals[0]


@functools.partial(
    pl.kernel,
    mesh=_mesh,
    compiler_params=pltpu.CompilerParams(needs_layout_passes=False),
    out_type=jax.ShapeDtypeStruct((_B,), jnp.float32),
    scratch_types=[
        pltpu.VMEM((_RPW,), jnp.int32),
        pltpu.VMEM((_RPW,), jnp.int32),
        pltpu.VMEM((2, _CHUNK, _D), jnp.float32),
        pltpu.VMEM((2, _CHUNK, _D), jnp.float32),
        pltpu.VMEM((_RPW,), jnp.float32),
        pltpu.VMEM((_CHUNK * _LANES,), jnp.float32),
        pltpu.SemaphoreType.DMA((2,)),
        pltpu.SemaphoreType.DMA((2,)),
    ],
)
def _sc_dot(uid_hbm, pid_hbm, ut_hbm, pt_hbm, out_hbm,
            uidx_v, pidx_v, urows_v, prows_v, out_v, tile_v, sem_u, sem_p):
    wid = lax.axis_index("s") * _NC + lax.axis_index("c")
    base = wid * _RPW
    pltpu.sync_copy(uid_hbm.at[pl.ds(base, _RPW)], uidx_v)
    pltpu.sync_copy(pid_hbm.at[pl.ds(base, _RPW)], pidx_v)
    lane_ids = lax.iota(jnp.int32, _LANES)
    cols = [lane_ids * _LANES + l for l in range(_LANES)]

    def descriptors(ci, b):
        idx_u = uidx_v.at[pl.ds(ci * _CHUNK, _CHUNK)]
        idx_p = pidx_v.at[pl.ds(ci * _CHUNK, _CHUNK)]
        cu = pltpu.make_async_copy(ut_hbm.at[idx_u], urows_v.at[b],
                                   sem_u.at[b])
        cp = pltpu.make_async_copy(pt_hbm.at[idx_p], prows_v.at[b],
                                   sem_p.at[b])
        return (cu, cp)

    def issue(ci, b):
        cu, cp = descriptors(ci, b)
        cu.start()
        cp.start()

    issue(0, 0)

    def chunk_body(ci, _):
        b = lax.rem(ci, 2)

        @pl.when(ci + 1 < _NCHUNK)
        def _():
            issue(ci + 1, 1 - b)

        cu, cp = descriptors(ci, b)
        cu.wait()
        cp.wait()

        @plsc.parallel_loop(0, _CHUNK, 1, unroll=8)
        def _row_body(r):
            prods = [(urows_v[b, r, pl.ds(j * _LANES, _LANES)]
                      * prows_v[b, r, pl.ds(j * _LANES, _LANES)])
                     for j in range(_VPR)]
            tile_v[pl.ds(r * _LANES, _LANES)] = _tree_sum(prods)

        @plsc.parallel_loop(0, _CHUNK // _LANES, 1, unroll=4)
        def _red_body(g):
            gb = g * (_LANES * _LANES)
            tot = _tree_sum([plsc.load_gather(tile_v, [gb + cols[l]])
                             for l in range(_LANES)])
            out_v[pl.ds(ci * _CHUNK + g * _LANES, _LANES)] = tot

        return 0

    lax.fori_loop(0, _NCHUNK, chunk_body, 0)
    pltpu.sync_copy(out_v, out_hbm.at[pl.ds(base, _RPW)])


def kernel(user_ids, place_ids, user_table, place_table):
    out = _sc_dot(user_ids.astype(jnp.int32), place_ids.astype(jnp.int32),
                  user_table, place_table)
    return out.reshape(_B, 1)

# --- scband reference (transcript-rebuilt; emitter-appended) ---
"""Pipeline reference for scband-recommender-model-49718541419106 (READ-ONLY COPY).

The authoritative reference and input builder live on the scoring server;
editing this copy changes nothing except your own understanding.
"""

import jax, jax.numpy as jnp
import numpy as np

NUM_USERS = 100000
NUM_PLACES = 1000000
EMBED_DIM = 128
BATCH = 16384

def setup_inputs(seed: int = 0) -> dict:
    key = jax.random.key(seed)
    k1, k2, k3, k4 = jax.random.split(key, 4)
    user_ids = jax.random.randint(k1, (BATCH,), 0, NUM_USERS, dtype=jnp.int64 if jax.config.jax_enable_x64 else jnp.int32)
    place_ids = jax.random.randint(k2, (BATCH,), 0, NUM_PLACES, dtype=jnp.int64 if jax.config.jax_enable_x64 else jnp.int32)
    # Keras Embedding default initializer is uniform(-0.05, 0.05)
    user_table = jax.random.uniform(k3, (NUM_USERS, EMBED_DIM), dtype=jnp.float32, minval=-0.05, maxval=0.05)
    place_table = jax.random.uniform(k4, (NUM_PLACES, EMBED_DIM), dtype=jnp.float32, minval=-0.05, maxval=0.05)
    return {"user_ids": user_ids, "place_ids": place_ids, "user_table": user_table, "place_table": place_table}

def reference(user_ids, place_ids, user_table, place_table):
    # user_embedding lookup
    user_vector = jnp.take(user_table, user_ids, axis=0)   # [B, D]
    # place_embedding lookup
    place_vector = jnp.take(place_table, place_ids, axis=0)  # [B, D]
    # Keras Dot(axes=1) on two [B, D] tensors -> [B, 1]
    out = jnp.sum(user_vector * place_vector, axis=1, keepdims=True)
    return out

if __name__ == "__main__":
    import jax
    _d = setup_inputs()
    print(jax.jit(kernel)(*tuple(_d.values())))

</pallas_src>

<mosaic_0001>
#map = affine_map<(d0, d1) -> (0)>
#map1 = affine_map<(d0, d1) -> (0, 0)>
module attributes {stable_mosaic.version = 14 : i64} {
  func.func @_sc_dot(%arg0: i32, %arg1: i32, %arg2: memref<16384xi32, #tpu.memory_space<hbm>>, %arg3: memref<16384xi32, #tpu.memory_space<hbm>>, %arg4: memref<100000x128xf32, #tpu.memory_space<hbm>>, %arg5: memref<1000000x128xf32, #tpu.memory_space<hbm>>, %arg6: memref<16384xf32, #tpu.memory_space<hbm>>, %arg7: memref<512xi32, #tpu.memory_space<vmem>>, %arg8: memref<512xi32, #tpu.memory_space<vmem>>, %arg9: memref<2x64x128xf32, #tpu.memory_space<vmem>>, %arg10: memref<2x64x128xf32, #tpu.memory_space<vmem>>, %arg11: memref<512xf32, #tpu.memory_space<vmem>>, %arg12: memref<1024xf32, #tpu.memory_space<vmem>>, %arg13: memref<2x!tpu.dma_semaphore, #tpu.memory_space<semaphore_mem>>, %arg14: memref<2x!tpu.dma_semaphore, #tpu.memory_space<semaphore_mem>>) attributes {dimension_semantics = [#tpu.dimension_semantics<core_parallel>, #tpu.dimension_semantics<subcore_parallel>], iteration_bounds = array<i64: 2, 16>, scalar_prefetch = 0 : i64, scratch_operands = 8 : i64, tpu.core_type = #tpu.core_type<sc_vector_subcore>, window_params = [{transform_indices = #map}, {transform_indices = #map}, {transform_indices = #map1}, {transform_indices = #map1}, {transform_indices = #map}]} {
    %mul3A = arith.constant 2 : i32
    %mul3A_0 = arith.muli %arg1, %mul3A : i32
    %add3A = arith.addi %mul3A_0, %arg0 : i32
    %mul3A_1 = arith.constant 512 : i32
    %mul3A_2 = arith.muli %add3A, %mul3A_1 : i32
    "tpu.region"() ({
      %run_scoped3A = tpu.sem_alloc : memref<!tpu.dma_semaphore, #tpu.memory_space<semaphore_mem>>
      %dma_start3A_130 = tpu.memref_slice %arg2[%mul3A_2] : memref<16384xi32, #tpu.memory_space<hbm>> -> memref<512xi32, #tpu.memory_space<hbm>>
      %dma_start3A_131 = tpu.memref_slice %arg2[%mul3A_2] : memref<16384xi32, #tpu.memory_space<hbm>> -> memref<512xi32, #tpu.memory_space<hbm>>
      tpu.enqueue_dma source(%dma_start3A_131 : memref<512xi32, #tpu.memory_space<hbm>>) target(%arg7 : memref<512xi32, #tpu.memory_space<vmem>>) target_semaphore(%run_scoped3A : memref<!tpu.dma_semaphore, #tpu.memory_space<semaphore_mem>>)
      %dma_wait3A = tpu.memref_slice %arg2[%mul3A_2] : memref<16384xi32, #tpu.memory_space<hbm>> -> memref<512xi32, #tpu.memory_space<hbm>>
      %dma_wait3A_132 = tpu.memref_slice %arg2[%mul3A_2] : memref<16384xi32, #tpu.memory_space<hbm>> -> memref<512xi32, #tpu.memory_space<hbm>>
      tpu.wait_dma2 semaphore(%run_scoped3A : memref<!tpu.dma_semaphore, #tpu.memory_space<semaphore_mem>>) src(%dma_wait3A_132 : memref<512xi32, #tpu.memory_space<hbm>>) dst(%arg7 : memref<512xi32, #tpu.memory_space<vmem>>)
      tpu.yield
    }) : () -> ()
    "tpu.region"() ({
      %run_scoped3A = tpu.sem_alloc : memref<!tpu.dma_semaphore, #tpu.memory_space<semaphore_mem>>
      %dma_start3A_130 = tpu.memref_slice %arg3[%mul3A_2] : memref<16384xi32, #tpu.memory_space<hbm>> -> memref<512xi32, #tpu.memory_space<hbm>>
      %dma_start3A_131 = tpu.memref_slice %arg3[%mul3A_2] : memref<16384xi32, #tpu.memory_space<hbm>> -> memref<512xi32, #tpu.memory_space<hbm>>
      tpu.enqueue_dma source(%dma_start3A_131 : memref<512xi32, #tpu.memory_space<hbm>>) target(%arg8 : memref<512xi32, #tpu.memory_space<vmem>>) target_semaphore(%run_scoped3A : memref<!tpu.dma_semaphore, #tpu.memory_space<semaphore_mem>>)
      %dma_wait3A = tpu.memref_slice %arg3[%mul3A_2] : memref<16384xi32, #tpu.memory_space<hbm>> -> memref<512xi32, #tpu.memory_space<hbm>>
      %dma_wait3A_132 = tpu.memref_slice %arg3[%mul3A_2] : memref<16384xi32, #tpu.memory_space<hbm>> -> memref<512xi32, #tpu.memory_space<hbm>>
      tpu.wait_dma2 semaphore(%run_scoped3A : memref<!tpu.dma_semaphore, #tpu.memory_space<semaphore_mem>>) src(%dma_wait3A_132 : memref<512xi32, #tpu.memory_space<hbm>>) dst(%arg8 : memref<512xi32, #tpu.memory_space<vmem>>)
      tpu.yield
    }) : () -> ()
    %iota3A = tpu.iota {dimensions = array<i32: 0>} : vector<16xi32>
    %mul3A_3 = arith.constant 16 : i32
    %mul3A_4 = vector.broadcast %mul3A_3 : i32 to vector<16xi32>
    %mul3A_5 = arith.muli %iota3A, %mul3A_4 : vector<16xi32>
    %add3A_6 = arith.constant 0 : i32
    %add3A_7 = vector.broadcast %add3A_6 : i32 to vector<16xi32>
    %add3A_8 = arith.addi %mul3A_5, %add3A_7 : vector<16xi32>
    %mul3A_9 = arith.constant 16 : i32
    %mul3A_10 = vector.broadcast %mul3A_9 : i32 to vector<16xi32>
    %mul3A_11 = arith.muli %iota3A, %mul3A_10 : vector<16xi32>
    %add3A_12 = arith.constant 1 : i32
    %add3A_13 = vector.broadcast %add3A_12 : i32 to vector<16xi32>
    %add3A_14 = arith.addi %mul3A_11, %add3A_13 : vector<16xi32>
    %mul3A_15 = arith.constant 16 : i32
    %mul3A_16 = vector.broadcast %mul3A_15 : i32 to vector<16xi32>
    %mul3A_17 = arith.muli %iota3A, %mul3A_16 : vector<16xi32>
    %add3A_18 = arith.constant 2 : i32
    %add3A_19 = vector.broadcast %add3A_18 : i32 to vector<16xi32>
    %add3A_20 = arith.addi %mul3A_17, %add3A_19 : vector<16xi32>
    %mul3A_21 = arith.constant 16 : i32
    %mul3A_22 = vector.broadcast %mul3A_21 : i32 to vector<16xi32>
    %mul3A_23 = arith.muli %iota3A, %mul3A_22 : vector<16xi32>
    %add3A_24 = arith.constant 3 : i32
    %add3A_25 = vector.broadcast %add3A_24 : i32 to vector<16xi32>
    %add3A_26 = arith.addi %mul3A_23, %add3A_25 : vector<16xi32>
    %mul3A_27 = arith.constant 16 : i32
    %mul3A_28 = vector.broadcast %mul3A_27 : i32 to vector<16xi32>
    %mul3A_29 = arith.muli %iota3A, %mul3A_28 : vector<16xi32>
    %add3A_30 = arith.constant 4 : i32
    %add3A_31 = vector.broadcast %add3A_30 : i32 to vector<16xi32>
    %add3A_32 = arith.addi %mul3A_29, %add3A_31 : vector<16xi32>
    %mul3A_33 = arith.constant 16 : i32
    %mul3A_34 = vector.broadcast %mul3A_33 : i32 to vector<16xi32>
    %mul3A_35 = arith.muli %iota3A, %mul3A_34 : vector<16xi32>
    %add3A_36 = arith.constant 5 : i32
    %add3A_37 = vector.broadcast %add3A_36 : i32 to vector<16xi32>
    %add3A_38 = arith.addi %mul3A_35, %add3A_37 : vector<16xi32>
    %mul3A_39 = arith.constant 16 : i32
    %mul3A_40 = vector.broadcast %mul3A_39 : i32 to vector<16xi32>
    %mul3A_41 = arith.muli %iota3A, %mul3A_40 : vector<16xi32>
    %add3A_42 = arith.constant 6 : i32
    %add3A_43 = vector.broadcast %add3A_42 : i32 to vector<16xi32>
    %add3A_44 = arith.addi %mul3A_41, %add3A_43 : vector<16xi32>
    %mul3A_45 = arith.constant 16 : i32
    %mul3A_46 = vector.broadcast %mul3A_45 : i32 to vector<16xi32>
    %mul3A_47 = arith.muli %iota3A, %mul3A_46 : vector<16xi32>
    %add3A_48 = arith.constant 7 : i32
    %add3A_49 = vector.broadcast %add3A_48 : i32 to vector<16xi32>
    %add3A_50 = arith.addi %mul3A_47, %add3A_49 : vector<16xi32>
    %mul3A_51 = arith.constant 16 : i32
    %mul3A_52 = vector.broadcast %mul3A_51 : i32 to vector<16xi32>
    %mul3A_53 = arith.muli %iota3A, %mul3A_52 : vector<16xi32>
    %add3A_54 = arith.constant 8 : i32
    %add3A_55 = vector.broadcast %add3A_54 : i32 to vector<16xi32>
    %add3A_56 = arith.addi %mul3A_53, %add3A_55 : vector<16xi32>
    %mul3A_57 = arith.constant 16 : i32
    %mul3A_58 = vector.broadcast %mul3A_57 : i32 to vector<16xi32>
    %mul3A_59 = arith.muli %iota3A, %mul3A_58 : vector<16xi32>
    %add3A_60 = arith.constant 9 : i32
    %add3A_61 = vector.broadcast %add3A_60 : i32 to vector<16xi32>
    %add3A_62 = arith.addi %mul3A_59, %add3A_61 : vector<16xi32>
    %mul3A_63 = arith.constant 16 : i32
    %mul3A_64 = vector.broadcast %mul3A_63 : i32 to vector<16xi32>
    %mul3A_65 = arith.muli %iota3A, %mul3A_64 : vector<16xi32>
    %add3A_66 = arith.constant 10 : i32
    %add3A_67 = vector.broadcast %add3A_66 : i32 to vector<16xi32>
    %add3A_68 = arith.addi %mul3A_65, %add3A_67 : vector<16xi32>
    %mul3A_69 = arith.constant 16 : i32
    %mul3A_70 = vector.broadcast %mul3A_69 : i32 to vector<16xi32>
    %mul3A_71 = arith.muli %iota3A, %mul3A_70 : vector<16xi32>
    %add3A_72 = arith.constant 11 : i32
    %add3A_73 = vector.broadcast %add3A_72 : i32 to vector<16xi32>
    %add3A_74 = arith.addi %mul3A_71, %add3A_73 : vector<16xi32>
    %mul3A_75 = arith.constant 16 : i32
    %mul3A_76 = vector.broadcast %mul3A_75 : i32 to vector<16xi32>
    %mul3A_77 = arith.muli %iota3A, %mul3A_76 : vector<16xi32>
    %add3A_78 = arith.constant 12 : i32
    %add3A_79 = vector.broadcast %add3A_78 : i32 to vector<16xi32>
    %add3A_80 = arith.addi %mul3A_77, %add3A_79 : vector<16xi32>
    %mul3A_81 = arith.constant 16 : i32
    %mul3A_82 = vector.broadcast %mul3A_81 : i32 to vector<16xi32>
    %mul3A_83 = arith.muli %iota3A, %mul3A_82 : vector<16xi32>
    %add3A_84 = arith.constant 13 : i32
    %add3A_85 = vector.broadcast %add3A_84 : i32 to vector<16xi32>
    %add3A_86 = arith.addi %mul3A_83, %add3A_85 : vector<16xi32>
    %mul3A_87 = arith.constant 16 : i32
    %mul3A_88 = vector.broadcast %mul3A_87 : i32 to vector<16xi32>
    %mul3A_89 = arith.muli %iota3A, %mul3A_88 : vector<16xi32>
    %add3A_90 = arith.constant 14 : i32
    %add3A_91 = vector.broadcast %add3A_90 : i32 to vector<16xi32>
    %add3A_92 = arith.addi %mul3A_89, %add3A_91 : vector<16xi32>
    %mul3A_93 = arith.constant 16 : i32
    %mul3A_94 = vector.broadcast %mul3A_93 : i32 to vector<16xi32>
    %mul3A_95 = arith.muli %iota3A, %mul3A_94 : vector<16xi32>
    %add3A_96 = arith.constant 15 : i32
    %add3A_97 = vector.broadcast %add3A_96 : i32 to vector<16xi32>
    %add3A_98 = arith.addi %mul3A_95, %add3A_97 : vector<16xi32>
    %dma_start3A = arith.constant 0 : i32
    %dma_start3A_99 = arith.constant 0 : i32
    %dma_start3A_100 = arith.constant 0 : i32
    %dma_start3A_101 = arith.constant 0 : i32
    %dma_start3A_102 = tpu.memref_slice %arg9[%dma_start3A, %dma_start3A_100, %dma_start3A_101] : memref<2x64x128xf32, #tpu.memory_space<vmem>> -> memref<1x64x128xf32, #tpu.memory_space<vmem>>
    %dma_start3A_103 = tpu.memref_squeeze %dma_start3A_102 : memref<1x64x128xf32, #tpu.memory_space<vmem>> -> memref<64x128xf32, #tpu.memory_space<vmem>>
    %dma_start3A_104 = arith.constant 0 : i32
    %dma_start3A_105 = tpu.memref_slice %arg7[%dma_start3A_104] : memref<512xi32, #tpu.memory_space<vmem>> -> memref<64xi32, #tpu.memory_space<vmem>>
    %dma_start3A_106 = arith.constant 0 : i32
    %dma_start3A_107 = arith.constant 0 : i32
    %dma_start3A_108 = tpu.memref_slice %arg4[%dma_start3A_106, %dma_start3A_107] : memref<100000x128xf32, #tpu.memory_space<hbm>> -> memref<100000x128xf32, #tpu.memory_space<hbm>>
    %dma_start3A_109 = tpu.memref_slice %arg13[%dma_start3A_99] : memref<2x!tpu.dma_semaphore, #tpu.memory_space<semaphore_mem>> -> memref<1x!tpu.dma_semaphore, #tpu.memory_space<semaphore_mem>>
    %dma_start3A_110 = tpu.memref_squeeze %dma_start3A_109 : memref<1x!tpu.dma_semaphore, #tpu.memory_space<semaphore_mem>> -> memref<!tpu.dma_semaphore, #tpu.memory_space<semaphore_mem>>
    tpu.enqueue_indirect_dma source(%dma_start3A_108 : memref<100000x128xf32, #tpu.memory_space<hbm>>) target(%dma_start3A_103 : memref<64x128xf32, #tpu.memory_space<vmem>>) offsets(%dma_start3A_105 : memref<64xi32, #tpu.memory_space<vmem>>) semaphore(%dma_start3A_110 : memref<!tpu.dma_semaphore, #tpu.memory_space<semaphore_mem>>)
    %dma_start3A_111 = arith.constant 0 : i32
    %dma_start3A_112 = arith.constant 0 : i32
    %dma_start3A_113 = arith.constant 0 : i32
    %dma_start3A_114 = arith.constant 0 : i32
    %dma_start3A_115 = tpu.memref_slice %arg10[%dma_start3A_111, %dma_start3A_113, %dma_start3A_114] : memref<2x64x128xf32, #tpu.memory_space<vmem>> -> memref<1x64x128xf32, #tpu.memory_space<vmem>>
    %dma_start3A_116 = tpu.memref_squeeze %dma_start3A_115 : memref<1x64x128xf32, #tpu.memory_space<vmem>> -> memref<64x128xf32, #tpu.memory_space<vmem>>
    %dma_start3A_117 = arith.constant 0 : i32
    %dma_start3A_118 = tpu.memref_slice %arg8[%dma_start3A_117] : memref<512xi32, #tpu.memory_space<vmem>> -> memref<64xi32, #tpu.memory_space<vmem>>
    %dma_start3A_119 = arith.constant 0 : i32
    %dma_start3A_120 = arith.constant 0 : i32
    %dma_start3A_121 = tpu.memref_slice %arg5[%dma_start3A_119, %dma_start3A_120] : memref<1000000x128xf32, #tpu.memory_space<hbm>> -> memref<1000000x128xf32, #tpu.memory_space<hbm>>
    %dma_start3A_122 = tpu.memref_slice %arg14[%dma_start3A_112] : memref<2x!tpu.dma_semaphore, #tpu.memory_space<semaphore_mem>> -> memref<1x!tpu.dma_semaphore, #tpu.memory_space<semaphore_mem>>
    %dma_start3A_123 = tpu.memref_squeeze %dma_start3A_122 : memref<1x!tpu.dma_semaphore, #tpu.memory_space<semaphore_mem>> -> memref<!tpu.dma_semaphore, #tpu.memory_space<semaphore_mem>>
    tpu.enqueue_indirect_dma source(%dma_start3A_121 : memref<1000000x128xf32, #tpu.memory_space<hbm>>) target(%dma_start3A_116 : memref<64x128xf32, #tpu.memory_space<vmem>>) offsets(%dma_start3A_118 : memref<64xi32, #tpu.memory_space<vmem>>) semaphore(%dma_start3A_123 : memref<!tpu.dma_semaphore, #tpu.memory_space<semaphore_mem>>)
    %scan3A = arith.constant 0 : i32
    %scan3A_124 = arith.constant 0 : i32
    %scan3A_125 = arith.constant 8 : i32
    %scan3A_126 = arith.addi %scan3A_124, %scan3A_125 : i32
    %scan3A_127 = arith.constant 1 : i32
    %scan3A_128 = scf.for %scan3A_130 = %scan3A_124 to %scan3A_126 step %scan3A_127 iter_args(%scan3A_131 = %scan3A) -> (i32)  : i32 {
      %rem3A = arith.constant 2 : i32
      %rem3A_132 = arith.remsi %scan3A_130, %rem3A : i32
      %add3A_133 = arith.constant 1 : i32
      %add3A_134 = arith.addi %scan3A_130, %add3A_133 : i32
      %lt3A = arith.constant 8 : i32
      %lt3A_135 = arith.cmpi slt, %add3A_134, %lt3A : i32
      %convert_element_type3A = arith.extui %lt3A_135 : i1 to i32
      %cond3A = arith.constant 0 : i32
      %cond3A_136 = arith.cmpi ne, %convert_element_type3A, %cond3A : i32
      scf.if %cond3A_136 {
        %add3A_166 = arith.constant 1 : i32
        %add3A_167 = arith.addi %scan3A_130, %add3A_166 : i32
        %sub3A = arith.constant 1 : i32
        %sub3A_168 = arith.subi %sub3A, %rem3A_132 : i32
        %mul3A_169 = arith.constant 64 : i32
        %mul3A_170 = arith.muli %add3A_167, %mul3A_169 : i32
        %mul3A_171 = arith.constant 64 : i32
        %mul3A_172 = arith.muli %add3A_167, %mul3A_171 : i32
        %dma_start3A_173 = arith.constant 0 : i32
        %dma_start3A_174 = arith.constant 0 : i32
        %dma_start3A_175 = tpu.memref_slice %arg9[%sub3A_168, %dma_start3A_173, %dma_start3A_174] : memref<2x64x128xf32, #tpu.memory_space<vmem>> -> memref<1x64x128xf32, #tpu.memory_space<vmem>>
        %dma_start3A_176 = tpu.memref_squeeze %dma_start3A_175 : memref<1x64x128xf32, #tpu.memory_space<vmem>> -> memref<64x128xf32, #tpu.memory_space<vmem>>
        %dma_start3A_177 = tpu.memref_slice %arg7[%mul3A_170] : memref<512xi32, #tpu.memory_space<vmem>> -> memref<64xi32, #tpu.memory_space<vmem>>
        %dma_start3A_178 = arith.constant 0 : i32
        %dma_start3A_179 = arith.constant 0 : i32
        %dma_start3A_180 = tpu.memref_slice %arg4[%dma_start3A_178, %dma_start3A_179] : memref<100000x128xf32, #tpu.memory_space<hbm>> -> memref<100000x128xf32, #tpu.memory_space<hbm>>
        %dma_start3A_181 = tpu.memref_slice %arg13[%sub3A_168] : memref<2x!tpu.dma_semaphore, #tpu.memory_space<semaphore_mem>> -> memref<1x!tpu.dma_semaphore, #tpu.memory_space<semaphore_mem>>
        %dma_start3A_182 = tpu.memref_squeeze %dma_start3A_181 : memref<1x!tpu.dma_semaphore, #tpu.memory_space<semaphore_mem>> -> memref<!tpu.dma_semaphore, #tpu.memory_space<semaphore_mem>>
        tpu.enqueue_indirect_dma source(%dma_start3A_180 : memref<100000x128xf32, #tpu.memory_space<hbm>>) target(%dma_start3A_176 : memref<64x128xf32, #tpu.memory_space<vmem>>) offsets(%dma_start3A_177 : memref<64xi32, #tpu.memory_space<vmem>>) semaphore(%dma_start3A_182 : memref<!tpu.dma_semaphore, #tpu.memory_space<semaphore_mem>>)
        %dma_start3A_183 = arith.constant 0 : i32
        %dma_start3A_184 = arith.constant 0 : i32
        %dma_start3A_185 = tpu.memref_slice %arg10[%sub3A_168, %dma_start3A_183, %dma_start3A_184] : memref<2x64x128xf32, #tpu.memory_space<vmem>> -> memref<1x64x128xf32, #tpu.memory_space<vmem>>
        %dma_start3A_186 = tpu.memref_squeeze %dma_start3A_185 : memref<1x64x128xf32, #tpu.memory_space<vmem>> -> memref<64x128xf32, #tpu.memory_space<vmem>>
        %dma_start3A_187 = tpu.memref_slice %arg8[%mul3A_172] : memref<512xi32, #tpu.memory_space<vmem>> -> memref<64xi32, #tpu.memory_space<vmem>>
        %dma_start3A_188 = arith.constant 0 : i32
        %dma_start3A_189 = arith.constant 0 : i32
        %dma_start3A_190 = tpu.memref_slice %arg5[%dma_start3A_188, %dma_start3A_189] : memref<1000000x128xf32, #tpu.memory_space<hbm>> -> memref<1000000x128xf32, #tpu.memory_space<hbm>>
        %dma_start3A_191 = tpu.memref_slice %arg14[%sub3A_168] : memref<2x!tpu.dma_semaphore, #tpu.memory_space<semaphore_mem>> -> memref<1x!tpu.dma_semaphore, #tpu.memory_space<semaphore_mem>>
        %dma_start3A_192 = tpu.memref_squeeze %dma_start3A_191 : memref<1x!tpu.dma_semaphore, #tpu.memory_space<semaphore_mem>> -> memref<!tpu.dma_semaphore, #tpu.memory_space<semaphore_mem>>
        tpu.enqueue_indirect_dma source(%dma_start3A_190 : memref<1000000x128xf32, #tpu.memory_space<hbm>>) target(%dma_start3A_186 : memref<64x128xf32, #tpu.memory_space<vmem>>) offsets(%dma_start3A_187 : memref<64xi32, #tpu.memory_space<vmem>>) semaphore(%dma_start3A_192 : memref<!tpu.dma_semaphore, #tpu.memory_space<semaphore_mem>>)
      } else {
      }
      %mul3A_137 = arith.constant 64 : i32
      %mul3A_138 = arith.muli %scan3A_130, %mul3A_137 : i32
      %mul3A_139 = arith.constant 64 : i32
      %mul3A_140 = arith.muli %scan3A_130, %mul3A_139 : i32
      %dma_wait3A = arith.constant 0 : i32
      %dma_wait3A_141 = arith.constant 0 : i32
      %dma_wait3A_142 = tpu.memref_slice %arg9[%rem3A_132, %dma_wait3A, %dma_wait3A_141] : memref<2x64x128xf32, #tpu.memory_space<vmem>> -> memref<1x64x128xf32, #tpu.memory_space<vmem>>
      %dma_wait3A_143 = tpu.memref_squeeze %dma_wait3A_142 : memref<1x64x128xf32, #tpu.memory_space<vmem>> -> memref<64x128xf32, #tpu.memory_space<vmem>>
      %dma_wait3A_144 = tpu.memref_slice %arg7[%mul3A_138] : memref<512xi32, #tpu.memory_space<vmem>> -> memref<64xi32, #tpu.memory_space<vmem>>
      %dma_wait3A_145 = arith.constant 0 : i32
      %dma_wait3A_146 = arith.constant 0 : i32
      %dma_wait3A_147 = tpu.memref_slice %arg4[%dma_wait3A_145, %dma_wait3A_146] : memref<100000x128xf32, #tpu.memory_space<hbm>> -> memref<100000x128xf32, #tpu.memory_space<hbm>>
      %dma_wait3A_148 = tpu.memref_slice %arg13[%rem3A_132] : memref<2x!tpu.dma_semaphore, #tpu.memory_space<semaphore_mem>> -> memref<1x!tpu.dma_semaphore, #tpu.memory_space<semaphore_mem>>
      %dma_wait3A_149 = tpu.memref_squeeze %dma_wait3A_148 : memref<1x!tpu.dma_semaphore, #tpu.memory_space<semaphore_mem>> -> memref<!tpu.dma_semaphore, #tpu.memory_space<semaphore_mem>>
      tpu.wait_indirect_dma semaphore(%dma_wait3A_149 : memref<!tpu.dma_semaphore, #tpu.memory_space<semaphore_mem>>) src(%dma_wait3A_147 : memref<100000x128xf32, #tpu.memory_space<hbm>>) dst(%dma_wait3A_143 : memref<64x128xf32, #tpu.memory_space<vmem>>)
      %dma_wait3A_150 = arith.constant 0 : i32
      %dma_wait3A_151 = arith.constant 0 : i32
      %dma_wait3A_152 = tpu.memref_slice %arg10[%rem3A_132, %dma_wait3A_150, %dma_wait3A_151] : memref<2x64x128xf32, #tpu.memory_space<vmem>> -> memref<1x64x128xf32, #tpu.memory_space<vmem>>
      %dma_wait3A_153 = tpu.memref_squeeze %dma_wait3A_152 : memref<1x64x128xf32, #tpu.memory_space<vmem>> -> memref<64x128xf32, #tpu.memory_space<vmem>>
      %dma_wait3A_154 = tpu.memref_slice %arg8[%mul3A_140] : memref<512xi32, #tpu.memory_space<vmem>> -> memref<64xi32, #tpu.memory_space<vmem>>
      %dma_wait3A_155 = arith.constant 0 : i32
      %dma_wait3A_156 = arith.constant 0 : i32
      %dma_wait3A_157 = tpu.memref_slice %arg5[%dma_wait3A_155, %dma_wait3A_156] : memref<1000000x128xf32, #tpu.memory_space<hbm>> -> memref<1000000x128xf32, #tpu.memory_space<hbm>>
      %dma_wait3A_158 = tpu.memref_slice %arg14[%rem3A_132] : memref<2x!tpu.dma_semaphore, #tpu.memory_space<semaphore_mem>> -> memref<1x!tpu.dma_semaphore, #tpu.memory_space<semaphore_mem>>
      %dma_wait3A_159 = tpu.memref_squeeze %dma_wait3A_158 : memref<1x!tpu.dma_semaphore, #tpu.memory_space<semaphore_mem>> -> memref<!tpu.dma_semaphore, #tpu.memory_space<semaphore_mem>>
      tpu.wait_indirect_dma semaphore(%dma_wait3A_159 : memref<!tpu.dma_semaphore, #tpu.memory_space<semaphore_mem>>) src(%dma_wait3A_157 : memref<1000000x128xf32, #tpu.memory_space<hbm>>) dst(%dma_wait3A_153 : memref<64x128xf32, #tpu.memory_space<vmem>>)
      %parallel_loop3A = arith.constant 0 : i32
      %parallel_loop3A_160 = arith.constant 64 : i32
      %parallel_loop3A_161 = arith.constant 1 : i32
      scf.for %parallel_loop3A_166 = %parallel_loop3A to %parallel_loop3A_160 step %parallel_loop3A_161  : i32 {
        %parallel_loop3A_167 = arith.index_cast %rem3A_132 : i32 to index
        %parallel_loop3A_168 = arith.index_cast %parallel_loop3A_166 : i32 to index
        %parallel_loop3A_169 = arith.constant 0 : index
        %parallel_loop3A_170 = tpu.vector_load %arg9[%parallel_loop3A_167, %parallel_loop3A_168, %parallel_loop3A_169] {strides = array<i32>} : memref<2x64x128xf32, #tpu.memory_space<vmem>>, vector<16xf32>,
        %parallel_loop3A_171 = arith.index_cast %rem3A_132 : i32 to index
        %parallel_loop3A_172 = arith.index_cast %parallel_loop3A_166 : i32 to index
        %parallel_loop3A_173 = arith.constant 0 : index
        %parallel_loop3A_174 = tpu.vector_load %arg10[%parallel_loop3A_171, %parallel_loop3A_172, %parallel_loop3A_173] {strides = array<i32>} : memref<2x64x128xf32, #tpu.memory_space<vmem>>, vector<16xf32>,
        %parallel_loop3A_175 = arith.mulf %parallel_loop3A_170, %parallel_loop3A_174 : vector<16xf32>
        %parallel_loop3A_176 = arith.index_cast %rem3A_132 : i32 to index
        %parallel_loop3A_177 = arith.index_cast %parallel_loop3A_166 : i32 to index
        %parallel_loop3A_178 = arith.constant 16 : index
        %parallel_loop3A_179 = tpu.vector_load %arg9[%parallel_loop3A_176, %parallel_loop3A_177, %parallel_loop3A_178] {strides = array<i32>} : memref<2x64x128xf32, #tpu.memory_space<vmem>>, vector<16xf32>,
        %parallel_loop3A_180 = arith.index_cast %rem3A_132 : i32 to index
        %parallel_loop3A_181 = arith.index_cast %parallel_loop3A_166 : i32 to index
        %parallel_loop3A_182 = arith.constant 16 : index
        %parallel_loop3A_183 = tpu.vector_load %arg10[%parallel_loop3A_180, %parallel_loop3A_181, %parallel_loop3A_182] {strides = array<i32>} : memref<2x64x128xf32, #tpu.memory_space<vmem>>, vector<16xf32>,
        %parallel_loop3A_184 = arith.mulf %parallel_loop3A_179, %parallel_loop3A_183 : vector<16xf32>
        %parallel_loop3A_185 = arith.index_cast %rem3A_132 : i32 to index
        %parallel_loop3A_186 = arith.index_cast %parallel_loop3A_166 : i32 to index
        %parallel_loop3A_187 = arith.constant 32 : index
        %parallel_loop3A_188 = tpu.vector_load %arg9[%parallel_loop3A_185, %parallel_loop3A_186, %parallel_loop3A_187] {strides = array<i32>} : memref<2x64x128xf32, #tpu.memory_space<vmem>>, vector<16xf32>,
        %parallel_loop3A_189 = arith.index_cast %rem3A_132 : i32 to index
        %parallel_loop3A_190 = arith.index_cast %parallel_loop3A_166 : i32 to index
        %parallel_loop3A_191 = arith.constant 32 : index
        %parallel_loop3A_192 = tpu.vector_load %arg10[%parallel_loop3A_189, %parallel_loop3A_190, %parallel_loop3A_191] {strides = array<i32>} : memref<2x64x128xf32, #tpu.memory_space<vmem>>, vector<16xf32>,
        %parallel_loop3A_193 = arith.mulf %parallel_loop3A_188, %parallel_loop3A_192 : vector<16xf32>
        %parallel_loop3A_194 = arith.index_cast %rem3A_132 : i32 to index
        %parallel_loop3A_195 = arith.index_cast %parallel_loop3A_166 : i32 to index
        %parallel_loop3A_196 = arith.constant 48 : index
        %parallel_loop3A_197 = tpu.vector_load %arg9[%parallel_loop3A_194, %parallel_loop3A_195, %parallel_loop3A_196] {strides = array<i32>} : memref<2x64x128xf32, #tpu.memory_space<vmem>>, vector<16xf32>,
        %parallel_loop3A_198 = arith.index_cast %rem3A_132 : i32 to index
        %parallel_loop3A_199 = arith.index_cast %parallel_loop3A_166 : i32 to index
        %parallel_loop3A_200 = arith.constant 48 : index
        %parallel_loop3A_201 = tpu.vector_load %arg10[%parallel_loop3A_198, %parallel_loop3A_199, %parallel_loop3A_200] {strides = array<i32>} : memref<2x64x128xf32, #tpu.memory_space<vmem>>, vector<16xf32>,
        %parallel_loop3A_202 = arith.mulf %parallel_loop3A_197, %parallel_loop3A_201 : vector<16xf32>
        %parallel_loop3A_203 = arith.index_cast %rem3A_132 : i32 to index
        %parallel_loop3A_204 = arith.index_cast %parallel_loop3A_166 : i32 to index
        %parallel_loop3A_205 = arith.constant 64 : index
        %parallel_loop3A_206 = tpu.vector_load %arg9[%parallel_loop3A_203, %parallel_loop3A_204, %parallel_loop3A_205] {strides = array<i32>} : memref<2x64x128xf32, #tpu.memory_space<vmem>>, vector<16xf32>,
        %parallel_loop3A_207 = arith.index_cast %rem3A_132 : i32 to index
        %parallel_loop3A_208 = arith.index_cast %parallel_loop3A_166 : i32 to index
        %parallel_loop3A_209 = arith.constant 64 : index
        %parallel_loop3A_210 = tpu.vector_load %arg10[%parallel_loop3A_207, %parallel_loop3A_208, %parallel_loop3A_209] {strides = array<i32>} : memref<2x64x128xf32, #tpu.memory_space<vmem>>, vector<16xf32>,
        %parallel_loop3A_211 = arith.mulf %parallel_loop3A_206, %parallel_loop3A_210 : vector<16xf32>
        %parallel_loop3A_212 = arith.index_cast %rem3A_132 : i32 to index
        %parallel_loop3A_213 = arith.index_cast %parallel_loop3A_166 : i32 to index
        %parallel_loop3A_214 = arith.constant 80 : index
        %parallel_loop3A_215 = tpu.vector_load %arg9[%parallel_loop3A_212, %parallel_loop3A_213, %parallel_loop3A_214] {strides = array<i32>} : memref<2x64x128xf32, #tpu.memory_space<vmem>>, vector<16xf32>,
        %parallel_loop3A_216 = arith.index_cast %rem3A_132 : i32 to index
        %parallel_loop3A_217 = arith.index_cast %parallel_loop3A_166 : i32 to index
        %parallel_loop3A_218 = arith.constant 80 : index
        %parallel_loop3A_219 = tpu.vector_load %arg10[%parallel_loop3A_216, %parallel_loop3A_217, %parallel_loop3A_218] {strides = array<i32>} : memref<2x64x128xf32, #tpu.memory_space<vmem>>, vector<16xf32>,
        %parallel_loop3A_220 = arith.mulf %parallel_loop3A_215, %parallel_loop3A_219 : vector<16xf32>
        %parallel_loop3A_221 = arith.index_cast %rem3A_132 : i32 to index
        %parallel_loop3A_222 = arith.index_cast %parallel_loop3A_166 : i32 to index
        %parallel_loop3A_223 = arith.constant 96 : index
        %parallel_loop3A_224 = tpu.vector_load %arg9[%parallel_loop3A_221, %parallel_loop3A_222, %parallel_loop3A_223] {strides = array<i32>} : memref<2x64x128xf32, #tpu.memory_space<vmem>>, vector<16xf32>,
        %parallel_loop3A_225 = arith.index_cast %rem3A_132 : i32 to index
        %parallel_loop3A_226 = arith.index_cast %parallel_loop3A_166 : i32 to index
        %parallel_loop3A_227 = arith.constant 96 : index
        %parallel_loop3A_228 = tpu.vector_load %arg10[%parallel_loop3A_225, %parallel_loop3A_226, %parallel_loop3A_227] {strides = array<i32>} : memref<2x64x128xf32, #tpu.memory_space<vmem>>, vector<16xf32>,
        %parallel_loop3A_229 = arith.mulf %parallel_loop3A_224, %parallel_loop3A_228 : vector<16xf32>
        %parallel_loop3A_230 = arith.index_cast %rem3A_132 : i32 to index
        %parallel_loop3A_231 = arith.index_cast %parallel_loop3A_166 : i32 to index
        %parallel_loop3A_232 = arith.constant 112 : index
        %parallel_loop3A_233 = tpu.vector_load %arg9[%parallel_loop3A_230, %parallel_loop3A_231, %parallel_loop3A_232] {strides = array<i32>} : memref<2x64x128xf32, #tpu.memory_space<vmem>>, vector<16xf32>,
        %parallel_loop3A_234 = arith.index_cast %rem3A_132 : i32 to index
        %parallel_loop3A_235 = arith.index_cast %parallel_loop3A_166 : i32 to index
        %parallel_loop3A_236 = arith.constant 112 : index
        %parallel_loop3A_237 = tpu.vector_load %arg10[%parallel_loop3A_234, %parallel_loop3A_235, %parallel_loop3A_236] {strides = array<i32>} : memref<2x64x128xf32, #tpu.memory_space<vmem>>, vector<16xf32>,
        %parallel_loop3A_238 = arith.mulf %parallel_loop3A_233, %parallel_loop3A_237 : vector<16xf32>
        %parallel_loop3A_239 = arith.addf %parallel_loop3A_175, %parallel_loop3A_184 : vector<16xf32>
        %parallel_loop3A_240 = arith.addf %parallel_loop3A_193, %parallel_loop3A_202 : vector<16xf32>
        %parallel_loop3A_241 = arith.addf %parallel_loop3A_211, %parallel_loop3A_220 : vector<16xf32>
        %parallel_loop3A_242 = arith.addf %parallel_loop3A_229, %parallel_loop3A_238 : vector<16xf32>
        %parallel_loop3A_243 = arith.addf %parallel_loop3A_239, %parallel_loop3A_240 : vector<16xf32>
        %parallel_loop3A_244 = arith.addf %parallel_loop3A_241, %parallel_loop3A_242 : vector<16xf32>
        %parallel_loop3A_245 = arith.addf %parallel_loop3A_243, %parallel_loop3A_244 : vector<16xf32>
        %parallel_loop3A_246 = arith.constant 16 : i32
        %parallel_loop3A_247 = arith.muli %parallel_loop3A_166, %parallel_loop3A_246 : i32
        %parallel_loop3A_248 = arith.index_cast %parallel_loop3A_247 : i32 to index
        %parallel_loop3A_249 = tpu.vector_load %arg12[%parallel_loop3A_248] {strides = array<i32>} : memref<1024xf32, #tpu.memory_space<vmem>>, vector<16xf32>,
        tpu.vector_store %arg12[%parallel_loop3A_248], %parallel_loop3A_245 {strides = array<i32>} : memref<1024xf32, #tpu.memory_space<vmem>>, vector<16xf32>,
      } {sc.loop_unroll_factor = 8 : i64, sc.parallel_access}
      %parallel_loop3A_162 = arith.constant 0 : i32
      %parallel_loop3A_163 = arith.constant 4 : i32
      %parallel_loop3A_164 = arith.constant 1 : i32
      scf.for %parallel_loop3A_166 = %parallel_loop3A_162 to %parallel_loop3A_163 step %parallel_loop3A_164  : i32 {
        %parallel_loop3A_167 = arith.constant 256 : i32
        %parallel_loop3A_168 = arith.muli %parallel_loop3A_166, %parallel_loop3A_167 : i32
        %parallel_loop3A_169 = vector.broadcast %parallel_loop3A_168 : i32 to vector<16xi32>
        %parallel_loop3A_170 = arith.addi %parallel_loop3A_169, %add3A_8 : vector<16xi32>
        %parallel_loop3A_171 = tpu.vector_load_idx %arg12[%parallel_loop3A_170] : memref<1024xf32, #tpu.memory_space<vmem>>[vector<16xi32>], vector<16xf32>,
        %parallel_loop3A_172 = vector.broadcast %parallel_loop3A_168 : i32 to vector<16xi32>
        %parallel_loop3A_173 = arith.addi %parallel_loop3A_172, %add3A_14 : vector<16xi32>
        %parallel_loop3A_174 = tpu.vector_load_idx %arg12[%parallel_loop3A_173] : memref<1024xf32, #tpu.memory_space<vmem>>[vector<16xi32>], vector<16xf32>,
        %parallel_loop3A_175 = vector.broadcast %parallel_loop3A_168 : i32 to vector<16xi32>
        %parallel_loop3A_176 = arith.addi %parallel_loop3A_175, %add3A_20 : vector<16xi32>
        %parallel_loop3A_177 = tpu.vector_load_idx %arg12[%parallel_loop3A_176] : memref<1024xf32, #tpu.memory_space<vmem>>[vector<16xi32>], vector<16xf32>,
        %parallel_loop3A_178 = vector.broadcast %parallel_loop3A_168 : i32 to vector<16xi32>
        %parallel_loop3A_179 = arith.addi %parallel_loop3A_178, %add3A_26 : vector<16xi32>
        %parallel_loop3A_180 = tpu.vector_load_idx %arg12[%parallel_loop3A_179] : memref<1024xf32, #tpu.memory_space<vmem>>[vector<16xi32>], vector<16xf32>,
        %parallel_loop3A_181 = vector.broadcast %parallel_loop3A_168 : i32 to vector<16xi32>
        %parallel_loop3A_182 = arith.addi %parallel_loop3A_181, %add3A_32 : vector<16xi32>
        %parallel_loop3A_183 = tpu.vector_load_idx %arg12[%parallel_loop3A_182] : memref<1024xf32, #tpu.memory_space<vmem>>[vector<16xi32>], vector<16xf32>,
        %parallel_loop3A_184 = vector.broadcast %parallel_loop3A_168 : i32 to vector<16xi32>
        %parallel_loop3A_185 = arith.addi %parallel_loop3A_184, %add3A_38 : vector<16xi32>
        %parallel_loop3A_186 = tpu.vector_load_idx %arg12[%parallel_loop3A_185] : memref<1024xf32, #tpu.memory_space<vmem>>[vector<16xi32>], vector<16xf32>,
        %parallel_loop3A_187 = vector.broadcast %parallel_loop3A_168 : i32 to vector<16xi32>
        %parallel_loop3A_188 = arith.addi %parallel_loop3A_187, %add3A_44 : vector<16xi32>
        %parallel_loop3A_189 = tpu.vector_load_idx %arg12[%parallel_loop3A_188] : memref<1024xf32, #tpu.memory_space<vmem>>[vector<16xi32>], vector<16xf32>,
        %parallel_loop3A_190 = vector.broadcast %parallel_loop3A_168 : i32 to vector<16xi32>
        %parallel_loop3A_191 = arith.addi %parallel_loop3A_190, %add3A_50 : vector<16xi32>
        %parallel_loop3A_192 = tpu.vector_load_idx %arg12[%parallel_loop3A_191] : memref<1024xf32, #tpu.memory_space<vmem>>[vector<16xi32>], vector<16xf32>,
        %parallel_loop3A_193 = vector.broadcast %parallel_loop3A_168 : i32 to vector<16xi32>
        %parallel_loop3A_194 = arith.addi %parallel_loop3A_193, %add3A_56 : vector<16xi32>
        %parallel_loop3A_195 = tpu.vector_load_idx %arg12[%parallel_loop3A_194] : memref<1024xf32, #tpu.memory_space<vmem>>[vector<16xi32>], vector<16xf32>,
        %parallel_loop3A_196 = vector.broadcast %parallel_loop3A_168 : i32 to vector<16xi32>
        %parallel_loop3A_197 = arith.addi %parallel_loop3A_196, %add3A_62 : vector<16xi32>
        %parallel_loop3A_198 = tpu.vector_load_idx %arg12[%parallel_loop3A_197] : memref<1024xf32, #tpu.memory_space<vmem>>[vector<16xi32>], vector<16xf32>,
        %parallel_loop3A_199 = vector.broadcast %parallel_loop3A_168 : i32 to vector<16xi32>
        %parallel_loop3A_200 = arith.addi %parallel_loop3A_199, %add3A_68 : vector<16xi32>
        %parallel_loop3A_201 = tpu.vector_load_idx %arg12[%parallel_loop3A_200] : memref<1024xf32, #tpu.memory_space<vmem>>[vector<16xi32>], vector<16xf32>,
        %parallel_loop3A_202 = vector.broadcast %parallel_loop3A_168 : i32 to vector<16xi32>
        %parallel_loop3A_203 = arith.addi %parallel_loop3A_202, %add3A_74 : vector<16xi32>
        %parallel_loop3A_204 = tpu.vector_load_idx %arg12[%parallel_loop3A_203] : memref<1024xf32, #tpu.memory_space<vmem>>[vector<16xi32>], vector<16xf32>,
        %parallel_loop3A_205 = vector.broadcast %parallel_loop3A_168 : i32 to vector<16xi32>
        %parallel_loop3A_206 = arith.addi %parallel_loop3A_205, %add3A_80 : vector<16xi32>
        %parallel_loop3A_207 = tpu.vector_load_idx %arg12[%parallel_loop3A_206] : memref<1024xf32, #tpu.memory_space<vmem>>[vector<16xi32>], vector<16xf32>,
        %parallel_loop3A_208 = vector.broadcast %parallel_loop3A_168 : i32 to vector<16xi32>
        %parallel_loop3A_209 = arith.addi %parallel_loop3A_208, %add3A_86 : vector<16xi32>
        %parallel_loop3A_210 = tpu.vector_load_idx %arg12[%parallel_loop3A_209] : memref<1024xf32, #tpu.memory_space<vmem>>[vector<16xi32>], vector<16xf32>,
        %parallel_loop3A_211 = vector.broadcast %parallel_loop3A_168 : i32 to vector<16xi32>
        %parallel_loop3A_212 = arith.addi %parallel_loop3A_211, %add3A_92 : vector<16xi32>
        %parallel_loop3A_213 = tpu.vector_load_idx %arg12[%parallel_loop3A_212] : memref<1024xf32, #tpu.memory_space<vmem>>[vector<16xi32>], vector<16xf32>,
        %parallel_loop3A_214 = vector.broadcast %parallel_loop3A_168 : i32 to vector<16xi32>
        %parallel_loop3A_215 = arith.addi %parallel_loop3A_214, %add3A_98 : vector<16xi32>
        %parallel_loop3A_216 = tpu.vector_load_idx %arg12[%parallel_loop3A_215] : memref<1024xf32, #tpu.memory_space<vmem>>[vector<16xi32>], vector<16xf32>,
        %parallel_loop3A_217 = arith.addf %parallel_loop3A_171, %parallel_loop3A_174 : vector<16xf32>
        %parallel_loop3A_218 = arith.addf %parallel_loop3A_177, %parallel_loop3A_180 : vector<16xf32>
        %parallel_loop3A_219 = arith.addf %parallel_loop3A_183, %parallel_loop3A_186 : vector<16xf32>
        %parallel_loop3A_220 = arith.addf %parallel_loop3A_189, %parallel_loop3A_192 : vector<16xf32>
        %parallel_loop3A_221 = arith.addf %parallel_loop3A_195, %parallel_loop3A_198 : vector<16xf32>
        %parallel_loop3A_222 = arith.addf %parallel_loop3A_201, %parallel_loop3A_204 : vector<16xf32>
        %parallel_loop3A_223 = arith.addf %parallel_loop3A_207, %parallel_loop3A_210 : vector<16xf32>
        %parallel_loop3A_224 = arith.addf %parallel_loop3A_213, %parallel_loop3A_216 : vector<16xf32>
        %parallel_loop3A_225 = arith.addf %parallel_loop3A_217, %parallel_loop3A_218 : vector<16xf32>
        %parallel_loop3A_226 = arith.addf %parallel_loop3A_219, %parallel_loop3A_220 : vector<16xf32>
        %parallel_loop3A_227 = arith.addf %parallel_loop3A_221, %parallel_loop3A_222 : vector<16xf32>
        %parallel_loop3A_228 = arith.addf %parallel_loop3A_223, %parallel_loop3A_224 : vector<16xf32>
        %parallel_loop3A_229 = arith.addf %parallel_loop3A_225, %parallel_loop3A_226 : vector<16xf32>
        %parallel_loop3A_230 = arith.addf %parallel_loop3A_227, %parallel_loop3A_228 : vector<16xf32>
        %parallel_loop3A_231 = arith.addf %parallel_loop3A_229, %parallel_loop3A_230 : vector<16xf32>
        %parallel_loop3A_232 = arith.constant 64 : i32
        %parallel_loop3A_233 = arith.muli %scan3A_130, %parallel_loop3A_232 : i32
        %parallel_loop3A_234 = arith.constant 16 : i32
        %parallel_loop3A_235 = arith.muli %parallel_loop3A_166, %parallel_loop3A_234 : i32
        %parallel_loop3A_236 = arith.addi %parallel_loop3A_233, %parallel_loop3A_235 : i32
        %parallel_loop3A_237 = arith.index_cast %parallel_loop3A_236 : i32 to index
        %parallel_loop3A_238 = tpu.vector_load %arg11[%parallel_loop3A_237] {strides = array<i32>} : memref<512xf32, #tpu.memory_space<vmem>>, vector<16xf32>,
        tpu.vector_store %arg11[%parallel_loop3A_237], %parallel_loop3A_231 {strides = array<i32>} : memref<512xf32, #tpu.memory_space<vmem>>, vector<16xf32>,
      } {sc.loop_unroll_factor = 4 : i64, sc.parallel_access}
      %scan3A_165 = arith.constant 0 : i32
      scf.yield %scan3A_165 : i32
    }
    %scan3A_129 = arith.constant 8 : i32
    "tpu.region"() ({
      %run_scoped3A = tpu.sem_alloc : memref<!tpu.dma_semaphore, #tpu.memory_space<semaphore_mem>>
      %dma_start3A_130 = tpu.memref_slice %arg6[%mul3A_2] : memref<16384xf32, #tpu.memory_space<hbm>> -> memref<512xf32, #tpu.memory_space<hbm>>
      %dma_start3A_131 = tpu.memref_slice %arg6[%mul3A_2] : memref<16384xf32, #tpu.memory_space<hbm>> -> memref<512xf32, #tpu.memory_space<hbm>>
      tpu.enqueue_dma source(%arg11 : memref<512xf32, #tpu.memory_space<vmem>>) target(%dma_start3A_131 : memref<512xf32, #tpu.memory_space<hbm>>) target_semaphore(%run_scoped3A : memref<!tpu.dma_semaphore, #tpu.memory_space<semaphore_mem>>)
      %dma_wait3A = tpu.memref_slice %arg6[%mul3A_2] : memref<16384xf32, #tpu.memory_space<hbm>> -> memref<512xf32, #tpu.memory_space<hbm>>
      %dma_wait3A_132 = tpu.memref_slice %arg6[%mul3A_2] : memref<16384xf32, #tpu.memory_space<hbm>> -> memref<512xf32, #tpu.memory_space<hbm>>
      tpu.wait_dma2 semaphore(%run_scoped3A : memref<!tpu.dma_semaphore, #tpu.memory_space<semaphore_mem>>) src(%arg11 : memref<512xf32, #tpu.memory_space<vmem>>) dst(%dma_wait3A_132 : memref<512xf32, #tpu.memory_space<hbm>>)
      tpu.yield
    }) : () -> ()
    return
  }
}

</mosaic_0001>

<sc_bundles>
// kernel: kernel.3.cloned.1.call-start
scs
__scs_entry_jumppad:
0x0: {  	(pc) =	sbr.rel $0x88, $3  }
0x1: {  	(tag) =	ssettag $0x0;
	lr =	simm.s32 $0x1  }
0x2: {  	[smem:$0x3F9D] =	sst lr;
	_ =	strace $0xD0000000  }
0x3: {  	_ = 	snop  }
0x4: {  	_ = 	snop  }
0x5: {  	_ = 	snop  }
0x6: {  	_ = 	snop  }
0x7: {  	_ = 	snop  }
__scs_overlays_trampoline_lowered:
0x8: {  	[smem:$0x3FAC] =	sst s0  }
0x9: {  	[smem:$0x3FAD] =	sst s1  }
0xa: {  	[smem:$0x3FAE] =	sst s2  }
0xb: {  	[smem:$0x3FAF] =	sst s3  }
0xc: {  	[smem:$0x3FB0] =	sst s4  }
0xd: {  	[smem:$0x3FB1] =	sst s5  }
0xe: {  	[smem:$0x3FB2] =	sst s6  }
0xf: {  	[smem:$0x3FB3] =	sst s7  }
0x10: {  	[smem:$0x3FB4] =	sst s8  }
0x11: {  	[smem:$0x3FB5] =	sst s9;
	s0 =	simm.s32 @!p0 $0x0  }
0x12: {  	s1 =	sld [smem:$0x3F9B];
	s0 =	simm.s32 @p0 $0x1  }
0x13: {  	[smem:$0x3FB6] =	sst s0;
	s0 =	simm.s32 @!p1 $0x0  }
0x14: {  	s2 =	sld [smem:$0x3F9A];
	s0 =	simm.s32 @p1 $0x1  }
0x15: {  	[smem:$0x3FB7] =	sst s0;
	s0 =	simm.s32 @!p2 $0x0  }
0x16: {  	s3 =	sld [smem:$0x3FDB];
	s0 =	simm.s32 @p2 $0x1  }
0x17: {  	s4 =	simm.s32 $0x1BF5;
	[smem:$0x3FB9] =	sst s0  }
0x18: {  	s0 =	sld [smem:$0x3F9C];
	_ =	swait.ge [sflag:s4], $0x0  }
0x19: {  	s7 =	sld [smem:$0x3F9D]  }
0x1a: {  	s8 =	sadd.s32 $0xFFFFE003, lr  }
0x1b: {  	s9 =	sadd.s32 $0xFFFFFEF7, lr;
	s5 =	simm.s32 $0xFFFFFFFF;
	p2 =	slt.u32 s8, $0xFFFFF086  }
0x1c: {  	p1 =	slt.u32 s9, $0xF7A;
	s5 =	simm.s32 @!p2 $0x0  }
0x1d: {  	s5 =	simm.s32 @p1 $0x1;
	p0 =	seq.s32 s7, s2  }
0x1e: {  	s7 =	smul.u32 @!p0 $0xF7A, s2;
	p2 =	seq.s32 @!p0 s5, $0x0  }
0x1f: {  	s9 =	smul.u32 $0xF7A, s1;
	s8 =	simm.s32 @!p0 $0x1BF5;
	p2 =	por !p2, p0  }
0x20: {  	[sflag:s8] =	ssyncset.s32 @!p0 $0xFFFFF086;
	s6 =	sadd.s32 @!p0 s3, s7;
	s7 =	simm.s32 @!p0 $0x108  }
0x21: {  	s3 =	sadd.s32 s3, s9;
	s6 =	sadd.s32 @!p0 $0x88, s6;
	s7 =	simm.s32 @p2 $0x1082  }
0x22: {  	[simem:s7], [sflag:s8] =	dma.local @!p0 [hbm:s6], $0xF7A  }
0x23: {  	s9 =	sor.u32 $0xD0000000, s2;
	s6 =	simm.s32 $0x108;
	_ =	swait.ge @!p0 [sflag:s8], $0x0  }
0x24: {  	s3 =	sadd.s32 $0x88, s3;
	s6 =	simm.s32 @!p1 $0x1082;
	[sflag:s4] =	ssyncset.s32 $0xFFFFF086  }
0x25: {  	[simem:s6], [sflag:s4] =	dma.local [hbm:s3], $0xF7A  }
0x26: {  	[smem:$0x3F9D] =	sst s1;
	(tag) =	ssettag s2;
	_ =	strace s9  }
0x27: {  	s1 =	sld [smem:$0x3FAD]  }
0x28: {  	s2 =	sld [smem:$0x3FAE]  }
0x29: {  	s4 =	sld [smem:$0x3FB0]  }
0x2a: {  	p0 =	seq.s32 s5, $0x0;
	s5 =	sld [smem:$0x3FB1]  }
0x2b: {  	s6 =	sld [smem:$0x3FB2]  }
0x2c: {  	s7 =	sld [smem:$0x3FB3]  }
0x2d: {  	s3 =	simm.s32 $0x108;
	s8 =	sld [smem:$0x3FB4]  }
0x2e: {  	s3 =	simm.s32 @!p0 $0x1082;
	s9 =	sld [smem:$0x3FB5]  }
0x2f: {  	lr =	sadd.s32 s0, s3;
	s0 =	sld [smem:$0x3FAC]  }
0x30: {  	s3 =	sld [smem:$0x3FAF]  }
0x31: {  	[smem:$0x3FB8] =	sst s10  }
0x32: {  	s10 =	sld [smem:$0x3FB6];
	_ =	sdelay $0x3  }
0x33: {  	p0 =	seq.s32 s10, $0x1;
	s10 =	sld [smem:$0x3FB8];
	_ =	sdelay $0x3  }
0x34: {  	[smem:$0x3FB8] =	sst s10  }
0x35: {  	s10 =	sld [smem:$0x3FB7];
	_ =	sdelay $0x3  }
0x36: {  	p1 =	seq.s32 s10, $0x1;
	s10 =	sld [smem:$0x3FB8];
	_ =	sdelay $0x3  }
0x37: {  	[smem:$0x3FB8] =	sst s10  }
0x38: {  	s10 =	sld [smem:$0x3FB9]  }
0x39: {  	_ = 	snop;
	(pc) =	sbr.ind lr, $3  }
0x3a: {  	_ = 	snop  }
0x3b: {  	_ = 	snop  }
0x3c: {  	p2 =	seq.s32 s10, $0x1;
	s10 =	sld [smem:$0x3FB8]  }
0x3d: {  	_ =	shalt  }
0x3e: {  	_ =	shalt  }
0x3f: {  	_ =	shalt  }
0x40: {  	_ =	shalt  }
0x41: {  	_ =	shalt  }
0x42: {  	_ =	shalt  }
0x43: {  	_ =	shalt  }
0x44: {  	_ =	shalt  }
0x45: {  	_ =	shalt  }
0x46: {  	_ =	shalt  }
0x47: {  	_ =	shalt  }
0x48: {  	_ =	shalt  }
0x49: {  	_ =	shalt  }
0x4a: {  	_ =	shalt  }
0x4b: {  	_ =	shalt  }
0x4c: {  	_ =	shalt  }
0x4d: {  	_ =	shalt  }
0x4e: {  	_ =	shalt  }
0x4f: {  	_ =	shalt  }
0x50: {  	_ =	shalt  }
0x51: {  	_ =	shalt  }
0x52: {  	_ =	shalt  }
0x53: {  	_ =	shalt  }
0x54: {  	_ =	shalt  }
0x55: {  	_ =	shalt  }
0x56: {  	_ =	shalt  }
0x57: {  	_ =	shalt  }
0x58: {  	_ =	shalt  }
0x59: {  	_ =	shalt  }
0x5a: {  	_ =	shalt  }
0x5b: {  	_ =	shalt  }
0x5c: {  	_ =	shalt  }
0x5d: {  	_ =	shalt  }
0x5e: {  	_ =	shalt  }
0x5f: {  	_ =	shalt  }
0x60: {  	_ =	shalt  }
0x61: {  	_ =	shalt  }
0x62: {  	_ =	shalt  }
0x63: {  	_ =	shalt  }
0x64: {  	_ =	shalt  }
0x65: {  	_ =	shalt  }
0x66: {  	_ =	shalt  }
0x67: {  	_ =	shalt  }
0x68: {  	_ =	shalt  }
0x69: {  	_ =	shalt  }
0x6a: {  	_ =	shalt  }
0x6b: {  	_ =	shalt  }
0x6c: {  	_ =	shalt  }
0x6d: {  	_ =	shalt  }
0x6e: {  	_ =	shalt  }
0x6f: {  	_ =	shalt  }
0x70: {  	_ =	shalt  }
0x71: {  	_ =	shalt  }
0x72: {  	_ =	shalt  }
0x73: {  	_ =	shalt  }
0x74: {  	_ =	shalt  }
0x75: {  	_ =	shalt  }
0x76: {  	_ =	shalt  }
0x77: {  	_ =	shalt  }
0x78: {  	_ =	shalt  }
0x79: {  	_ =	shalt  }
0x7a: {  	_ =	shalt  }
0x7b: {  	_ =	shalt  }
0x7c: {  	_ =	shalt  }
0x7d: {  	_ =	shalt  }
0x7e: {  	_ =	shalt  }
0x7f: {  	_ =	shalt  }
0x80: {  	_ =	shalt  }
0x81: {  	_ =	shalt  }
0x82: {  	_ =	shalt  }
0x83: {  	_ =	shalt  }
0x84: {  	_ =	shalt  }
0x85: {  	_ =	shalt  }
0x86: {  	_ =	shalt  }
0x87: {  	_ =	shalt  }
.Lfunc_end0:
.L_simem_size_0:
called_computation_lowered:
.L_overlay_start_0:
0x88: {  	s2 =	sld [smem:$0x3FD9]  }
0x89: {  	s3 =	sld [smem:$0x3FFE];
	_ =	sdelay $0x1  }
0x8a: {  	s1 =	srdreg.scid  }
0x8b: {  	s0 =	sand.u32 $0x1, s1  }
0x8c: {  	s18 =	sshll.u32 s0, $0xA;
	s2 =	sadd.s32 s3, s2  }
0x8d: {  	s2 =	sadd.s32 s2, s18  }
0x8e: {  	[smem:$0x3FC4] =	sst s2  }
0x8f: {  	_ = 	snop  }
0x90: {  	s2 =	sld [smem:$0x3FC9]  }
0x91: {  	s19 =	sld [smem:$0x3FC8]  }
0x92: {  	s4 =	sld [smem:$0x3FC7]  }
0x93: {  	s5 =	sld [smem:$0x3FC6]  }
0x94: {  	s6 =	sld [smem:$0x3FD0];
	(tm) =	ssettm $0x1  }
0x95: {  	s7 =	sld [smem:$0x3FFB];
	_ =	sdelay $0x3  }
0x96: {  	_ =	strace s7  }
0x97: {  	s7 =	sld [smem:$0x3FFC];
	_ =	sdelay $0x3  }
0x98: {  	_ =	strace s7  }
0x99: {  	s7 =	sld [smem:$0x3FFD];
	_ =	sdelay $0x3  }
0x9a: {  	_ =	strace s7  }
0x9b: {  	_ =	strace $0x8FFFFFFF  }
0x9c: {  	s20 =	sld [smem:$0x3FDB];
	_ =	sdelay $0x1  }
0x9d: {  	s8 =	simm.s32 $_scs_section_size  }
0x9e: {  	s9 =	simm.s32 $_size__tile_overlayer_lowered;
	s10 =	simm.s32 $_tile_overlayer_lowered  }
0x9f: {  	s23 =	simm.s32 $0x1BFF;
	s22 =	sshll.u32 s10, $0x1;
	s7 =	sadd.s32 s8, s20  }
0xa0: {  	s11 =	simm.s32 $0x0;
	s21 =	sshll.u32 s9, $0x1;
	s9 =	sadd.s32 s22, s7  }
0xa1: {  	[timem:s11], [sflag:s23] =	dma.local [hbm:s9], s21  }
0xa2: {  	_ =	swait.ge [sflag:s23], s21  }
0xa3: {  	s8 =	ssub.s32 $0x0, s21;
	[sflag:s23] =	ssyncset.done $0x0  }
0xa4: {  	[sflag:s23] =	ssyncadd.s32 s8;
	_ =	sdelay $0x1  }
0xa5: {  	s24 =	simm.s32 $0x1B8B  }
0xa6: {  	_ =	swait.ge [sflag:s24], $0x1  }
0xa7: {  	[sflag:s24] =	ssyncset.done $0x0  }
0xa8: {  	s25 =	simm.s32 $0x1B8E;
	[sflag:s24] =	ssyncadd.s32 $0xFFFFFFFF  }
0xa9: {  	s26 =	simm.s32 $execute0_lowered;
	[smem:$0x3FD2] =	sst s25  }
0xaa: {  	s8 =	sshll.u32 s26, $0x1;
	_ =	strace $0x80000046;
	[dreg:$0x1] =	wrdreg $0xFFFFFFFF  }
0xab: {  	s28 =	simm.s32 $_size_execute0_lowered;
	s7 =	sadd.s32 s7, s8;
	[dreg:$0x0] =	wrdreg $0x0  }
0xac: {  	s8 =	sshll.u32 s28, $0x1;
	[dreg:$0x2] =	wrdreg s7  }
0xad: {  	[dreg:$0x3] =	wrdreg s8  }
0xae: {  	[dreg:$0x4] =	wrdreg $0xC0  }
0xaf: {  	_ =	task [dreg:s11], $0x5FFFF  }
0xb0: {  	[dreg:$0x1] =	wrdreg $0xFFFFFFFF  }
0xb1: {  	[dreg:$0x0] =	wrdreg $0x60  }
0xb2: {  	[dreg:$0x2] =	wrdreg s2  }
0xb3: {  	[dreg:$0x3] =	wrdreg s19  }
0xb4: {  	[dreg:$0x4] =	wrdreg s4  }
0xb5: {  	[dreg:$0x5] =	wrdreg s5  }
0xb6: {  	[dreg:$0x6] =	wrdreg s6  }
0xb7: {  	[dreg:$0x7] =	wrdreg $0x9  }
0xb8: {  	_ =	task.clear_ibuf [dreg:s11], $0x8FFFF;
	_ =	strace $0x90000046  }
0xb9: {  	s29 =	simm.s32 $0x9;
	_ =	strace $0x80000048  }
0xba: {  	_ =	swait.ge [sflag:s29], $0x1  }
0xbb: {  	[sflag:s29] =	ssyncadd.s32 $0xFFFFFFFF  }
0xbc: {  	_ =	strace $0x90000048  }
0xbd: {  	_ =	sfence  }
0xbe: {  	s30 =	sld [smem:$0x0];
	_ =	sdelay $0x2  }
0xbf: {  	s31 =	sshll.u32 s1, $0xD;
	s1 =	sshrl.u32 s1, $0x2  }
0xc0: {  	s3 =	sand.u32 $0x4000, s31;
	s1 =	sadd.s32 s1, s30  }
0xc1: {  	s0 =	sor.u32 s3, s0;
	s1 =	sshll.u32 s1, $0x11  }
0xc2: {  	s0 =	sor.u32 s1, s0  }
0xc3: {  	s0 =	sadd.s32 $0x8F2B, s0  }
0xc4: {  	[sflag:s0] =	ssyncadd.remote.s32 $0x1  }
0xc5: {  	_ =	sfence.sel $0xFFFF  }
0xc6: {  	[dreg:$0x0] =	wrdreg $0xFFFFFFFF;
	(pc) =	sbr.abs _section_cstart, $3  }
0xc7: {  	[dreg:$0x1] =	wrdreg $0xFFFFFFFF  }
0xc8: {  	_ =	task.clear_ibuf [dreg:s11], $0x2FFFF;
	_ =	strace $0x9FFFFFFF  }
0xc9: {  	(tm) =	ssettm $0x7FFFFFFF  }
tec
execute0_lowered:
.L_overlay_start_1:
0x0: {  	(tag) =	ssettag $0x1  }
0x1: {  	v0 =	vlaneseq.u32  }
0x2: {  	v0 =	vmul.u32 $0x10, v0;
	_ =	sdelay $0x1  }
0x3: {  	v1 =	vor.u32 $0x1, v0  }
0x4: {  	v63 =	vor.u32 $0x2, v0;
	[tilespmem:$0x1FC00] =	vst v1  }
0x5: {  	v4 =	vor.u32 $0x3, v0;
	[tilespmem:$0x1FC10] =	vst v63  }
0x6: {  	v5 =	vor.u32 $0x4, v0;
	[tilespmem:$0x1FC20] =	vst v4  }
0x7: {  	v6 =	vor.u32 $0x5, v0;
	[tilespmem:$0x1FC30] =	vst v5  }
0x8: {  	v7 =	vor.u32 $0x6, v0;
	[tilespmem:$0x1FC40] =	vst v6  }
0x9: {  	v8 =	vor.u32 $0x7, v0;
	[tilespmem:$0x1FC50] =	vst v7  }
0xa: {  	v9 =	vor.u32 $0x8, v0;
	[tilespmem:$0x1FC60] =	vst v8  }
0xb: {  	v10 =	vor.u32 $0x9, v0;
	[tilespmem:$0x1FC70] =	vst v9  }
0xc: {  	v11 =	vor.u32 $0xA, v0;
	[tilespmem:$0x1FC80] =	vst v10  }
0xd: {  	v12 =	vor.u32 $0xB, v0;
	[tilespmem:$0x1FC90] =	vst v11  }
0xe: {  	v13 =	vor.u32 $0xC, v0;
	[tilespmem:$0x1FCA0] =	vst v12  }
0xf: {  	v14 =	vor.u32 $0xD, v0;
	[tilespmem:$0x1FCB0] =	vst v13  }
0x10: {  	v15 =	vor.u32 $0xE, v0;
	[tilespmem:$0x1FCC0] =	vst v14  }
0x11: {  	v16 =	vor.u32 $0xF, v0;
	[tilespmem:$0x1FCD0] =	vst v15  }
0x12: {  	v17 =	vor.u32 $0x100, v0;
	[tilespmem:$0x1FCE0] =	vst v16  }
0x13: {  	v18 =	vor.u32 $0x101, v0;
	[tilespmem:$0x1FCF0] =	vst v17  }
0x14: {  	v19 =	vor.u32 $0x102, v0;
	[tilespmem:$0x1FD00] =	vst v18  }
0x15: {  	v20 =	vor.u32 $0x103, v0;
	[tilespmem:$0x1FD10] =	vst v19  }
0x16: {  	v21 =	vor.u32 $0x104, v0;
	[tilespmem:$0x1FD20] =	vst v20  }
0x17: {  	v22 =	vor.u32 $0x105, v0;
	[tilespmem:$0x1FD30] =	vst v21  }
0x18: {  	v23 =	vor.u32 $0x106, v0;
	[tilespmem:$0x1FD40] =	vst v22  }
0x19: {  	v24 =	vor.u32 $0x107, v0;
	[tilespmem:$0x1FD50] =	vst v23  }
0x1a: {  	v25 =	vor.u32 $0x108, v0;
	[tilespmem:$0x1FD60] =	vst v24  }
0x1b: {  	v26 =	vor.u32 $0x109, v0;
	[tilespmem:$0x1FD70] =	vst v25  }
0x1c: {  	v27 =	vor.u32 $0x10A, v0;
	[tilespmem:$0x1FD80] =	vst v26  }
0x1d: {  	v28 =	vor.u32 $0x10B, v0;
	[tilespmem:$0x1FD90] =	vst v27  }
0x1e: {  	v29 =	vor.u32 $0x10C, v0;
	[tilespmem:$0x1FDA0] =	vst v28  }
0x1f: {  	v30 =	vor.u32 $0x10D, v0;
	[tilespmem:$0x1FDB0] =	vst v29  }
0x20: {  	v31 =	vor.u32 $0x10E, v0;
	[tilespmem:$0x1FDC0] =	vst v30  }
0x21: {  	v32 =	vor.u32 $0x10F, v0;
	[tilespmem:$0x1FDD0] =	vst v31  }
0x22: {  	v33 =	vor.u32 $0x200, v0;
	[tilespmem:$0x1FDE0] =	vst v32  }
0x23: {  	v34 =	vor.u32 $0x201, v0;
	[tilespmem:$0x1FDF0] =	vst v33  }
0x24: {  	v35 =	vor.u32 $0x202, v0;
	[tilespmem:$0x1FE00] =	vst v34  }
0x25: {  	v36 =	vor.u32 $0x203, v0;
	[tilespmem:$0x1FE10] =	vst v35  }
0x26: {  	v37 =	vor.u32 $0x204, v0;
	[tilespmem:$0x1FE20] =	vst v36  }
0x27: {  	v38 =	vor.u32 $0x205, v0;
	[tilespmem:$0x1FE30] =	vst v37  }
0x28: {  	v39 =	vor.u32 $0x206, v0;
	[tilespmem:$0x1FE40] =	vst v38  }
0x29: {  	v40 =	vor.u32 $0x207, v0;
	[tilespmem:$0x1FE50] =	vst v39  }
0x2a: {  	v41 =	vor.u32 $0x208, v0;
	[tilespmem:$0x1FE60] =	vst v40  }
0x2b: {  	v42 =	vor.u32 $0x209, v0;
	[tilespmem:$0x1FE70] =	vst v41  }
0x2c: {  	v43 =	vor.u32 $0x20A, v0;
	[tilespmem:$0x1FE80] =	vst v42  }
0x2d: {  	v44 =	vor.u32 $0x20B, v0;
	[tilespmem:$0x1FE90] =	vst v43  }
0x2e: {  	s5 =	rddreg [dreg:$0x0];
	v45 =	vor.u32 $0x20C, v0;
	[tilespmem:$0x1FEA0] =	vst v44  }
0x2f: {  	s6 =	rddreg [dreg:$0x1];
	v46 =	vor.u32 $0x20D, v0;
	[tilespmem:$0x1FEB0] =	vst v45  }
0x30: {  	s0 =	rddreg [dreg:$0x2];
	v47 =	vor.u32 $0x20E, v0;
	[tilespmem:$0x1FEC0] =	vst v46  }
0x31: {  	s1 =	rddreg [dreg:$0x3];
	v48 =	vor.u32 $0x20F, v0;
	[tilespmem:$0x1FED0] =	vst v47  }
0x32: {  	s7 =	rddreg [dreg:$0x4];
	s3 =	simm.s32 $0x0;
	v49 =	vor.u32 $0x300, v0;
	[tilespmem:$0x1FEE0] =	vst v48  }
0x33: {  	[smem:$0x7FF] =	sst s3;
	v50 =	vor.u32 $0x301, v0;
	[tilespmem:$0x1FEF0] =	vst v49  }
0x34: {  	s2 =	rddreg [dreg:$0x5];
	v51 =	vor.u32 $0x302, v0;
	_ =	strace $0x80000047;
	[tilespmem:$0x1FF00] =	vst v50  }
0x35: {  	v52 =	vor.u32 $0x303, v0;
	[tilespmem:$0x1FF10] =	vst v51  }
0x36: {  	v53 =	vor.u32 $0x304, v0;
	[tilespmem:$0x1FF20] =	vst v52  }
0x37: {  	v54 =	vor.u32 $0x305, v0;
	[tilespmem:$0x1FF30] =	vst v53  }
0x38: {  	v55 =	vor.u32 $0x306, v0;
	[tilespmem:$0x1FF40] =	vst v54  }
0x39: {  	v56 =	vor.u32 $0x307, v0;
	[tilespmem:$0x1FF50] =	vst v55  }
0x3a: {  	v57 =	vor.u32 $0x308, v0;
	[tilespmem:$0x1FF60] =	vst v56  }
0x3b: {  	v58 =	vor.u32 $0x309, v0;
	[tilespmem:$0x1FF70] =	vst v57  }
0x3c: {  	v59 =	vor.u32 $0x30A, v0;
	[tilespmem:$0x1FF80] =	vst v58  }
0x3d: {  	s4 =	srdreg.scid;
	s12 =	simm.s32 $0x400;
	s13 =	simm.s32 $0x4400;
	v60 =	vor.u32 $0x30B, v0;
	[tilespmem:$0x1FF90] =	vst v59  }
0x3e: {  	s14 =	simm.s32 $0x8600;
	s15 =	simm.s32 $0x8400;
	s8 =	sand.u32 $0x1, s4;
	v61 =	vor.u32 $0x30C, v0;
	[tilespmem:$0x1FFA0] =	vst v60  }
0x3f: {  	s16 =	simm.s32 $0x0;
	s4 =	stileid.u32;
	s9 =	ssub.s32 $0x2, s8;
	v62 =	vor.u32 $0x30D, v0;
	[tilespmem:$0x1FFB0] =	vst v61  }
0x40: {  	s11 =	sshll.u32 s4, $0x7;
	s8 =	sshll.u32 s8, $0x6;
	s10 =	sshrl.u32 s9, $0x1;
	v63 =	vor.u32 $0x30E, v0;
	[tilespmem:$0x1FFC0] =	vst v62  }
0x41: {  	s8 =	sor.u32 s8, s11;
	s11 =	simm.s32 $0x40;
	s9 =	ssub.s32 s9, s10;
	[tilespmem:$0x1FFD0] =	vst v63  }
0x42: {  	s5 =	sadd.s32 s5, s8;
	s6 =	sadd.s32 s6, s8;
	s7 =	sadd.s32 s7, s8;
	[tilespmem:$0x1FFE0] =	vst v0;
	v0 =	vor.u32 $0x30F, v0  }
0x43: {  	s10 =	simm.s32 $0x200;
	s8 =	smax.u32 s9, $0x1;
	s9 =	simm.s32 $0x5;
	[tilespmem:$0x1FFF0] =	vst v0  }
.LBB2_1:
0x44: {  	[tilespmem:s3], [sflag:$0x5] =	stream.linear.gather [hbm4b:s5+s3], $0x200, $0x38;
	[tilespmem:$0x8A00] =	vst v63  }
0x45: {  	_ =	swait.ge [sflag:s9], $0x200  }
0x46: {  	[sflag:s9] =	ssyncset.done $0x0  }
0x47: {  	[sflag:s9] =	ssyncadd.s32 $0xFFFFFE00  }
0x48: {  	[tilespmem:s10], [sflag:$0x5] =	stream.linear.gather [hbm4b:s6+s3], $0x200, $0x38;
	[tilespmem:$0x8A00] =	vst v63  }
0x49: {  	_ =	swait.ge [sflag:s9], $0x200  }
0x4a: {  	[sflag:s9] =	ssyncset.done $0x0  }
0x4b: {  	[sflag:s9] =	ssyncadd.s32 $0xFFFFFE00  }
0x4c: {  	[tilespmem:s12], [sflag:$0x1] =	stream.indirect.gather [hbm4b:s0+s11], $0x80, s3, s11, $0xb8;
	[tilespmem:$0x8A00] =	vst v63  }
0x4d: {  	p0 =	por $0x0, $0x0;
	s18 =	simm.s32 $0x0  }
0x4e: {  	[tilespmem:s13], [sflag:$0x3] =	stream.indirect.gather [hbm4b:s1+s11], $0x80, s10, s11, $0xb8;
	[tilespmem:$0x8A00] =	vst v63  }
.LBB2_2:
0x4f: {  	s19 =	sand.u32 $0x1, s18;
	p1 =	seq.s32 s18, $0x7  }
0x50: {  	s17 =	sadd.s32 $0x1, s18;
	s20 =	sxor.u32 @!p1 $0x1, s19  }
0x51: {  	s21 =	sshll.u32 @!p1 s17, $0x6;
	s25 =	simm.s32 @!p1 $0x40;
	s22 =	sshll.u32 @!p1 s20, $0xD  }
0x52: {  	s29 =	sadd.s32 $0x1, s19;
	s24 =	sadd.s32 @!p1 $0x1, s20;
	s23 =	sor.u32 @!p1 $0x400, s22  }
0x53: {  	[tilespmem:s23], [sflag:s24] =	stream.indirect.gather @!p1 [hbm4b:s0+s25], $0x80, s21, s25, $0xb8;
	[tilespmem:$0x8A00] =	vst v63  }
0x54: {  	s20 =	sadd.s32 @!p1 $0x3, s20;
	s22 =	sor.u32 @!p1 $0x4400, s22;
	s21 =	sadd.s32 @!p1 $0x200, s21  }
0x55: {  	[tilespmem:s22], [sflag:s20] =	stream.indirect.gather @!p1 [hbm4b:s1+s25], $0x80, s21, s25, $0xb8;
	[tilespmem:$0x8A00] =	vst v63  }
0x56: {  	_ =	swait.ge [sflag:s29], $0x2000  }
0x57: {  	[sflag:s29] =	ssyncset.done $0x0  }
0x58: {  	s19 =	sadd.s32 $0x3, s19;
	s21 =	simm.s32 $0x1;
	[sflag:s29] =	ssyncadd.s32 $0xFFFFE000  }
0x59: {  	s21 =	simm.s32 @!p0 $0x0;
	_ =	swait.ge [sflag:s19], $0x2000  }
0x5a: {  	s30 =	sshll.u32 s21, $0xD;
	[sflag:s19] =	ssyncset.done $0x0  }
0x5b: {  	s31 =	sor.u32 $0x600, s30;
	[sflag:s19] =	ssyncadd.s32 $0xFFFFE000  }
0x5c: {  	s19 =	sor.u32 $0x4600, s30;
	v8 =	vld [tilespmem:s31+$0x180]  }
0x5d: {  	v9 =	vld [tilespmem:s19+$0x180]  }
0x5e: {  	v10 =	vld [tilespmem:s31+$0x190]  }
0x5f: {  	v11 =	vld [tilespmem:s19+$0x190]  }
0x60: {  	v12 =	vld [tilespmem:s31+$0x1A0]  }
0x61: {  	v13 =	vld [tilespmem:s19+$0x1A0]  }
0x62: {  	v14 =	vld [tilespmem:s31+$0x1B0]  }
0x63: {  	v15 =	vld [tilespmem:s19+$0x1B0]  }
0x64: {  	v16 =	vld [tilespmem:s31+$0x1C0]  }
0x65: {  	v17 =	vld [tilespmem:s19+$0x1C0]  }
0x66: {  	v18 =	vld [tilespmem:s31+$0x1D0]  }
0x67: {  	v19 =	vld [tilespmem:s19+$0x1D0]  }
0x68: {  	v0 =	vld [tilespmem:s31+$0xFFFFFE10]  }
0x69: {  	v20 =	vld [tilespmem:s31+$0x1E0]  }
0x6a: {  	v21 =	vld [tilespmem:s19+$0x1E0]  }
0x6b: {  	v22 =	vld [tilespmem:s31+$0x1F0]  }
0x6c: {  	v23 =	vld [tilespmem:s19+$0x1F0]  }
0x6d: {  	v1 =	vld [tilespmem:s19+$0xFFFFFE00];
	[tilespmem:$0x1FBE0] =	vst v0  }
0x6e: {  	v0 =	vld [tilespmem:s19+$0xFFFFFE10];
	_ =	sdelay $0x4  }
0x6f: {  	[tilespmem:$0x1FBF0] =	vst v0  }
0x70: {  	v0 =	vld [tilespmem:s31+$0xFFFFFE20];
	_ =	sdelay $0x4  }
0x71: {  	[tilespmem:$0x1FBA0] =	vst v0  }
0x72: {  	v0 =	vld [tilespmem:s19+$0xFFFFFE20];
	_ =	sdelay $0x4  }
0x73: {  	[tilespmem:$0x1FBB0] =	vst v0  }
0x74: {  	v0 =	vld [tilespmem:s31+$0xFFFFFE30];
	_ =	sdelay $0x4  }
0x75: {  	[tilespmem:$0x1FBC0] =	vst v0  }
0x76: {  	v0 =	vld [tilespmem:s19+$0xFFFFFE30];
	_ =	sdelay $0x4  }
0x77: {  	[tilespmem:$0x1FBD0] =	vst v0  }
0x78: {  	v24 =	vld [tilespmem:s31+$0xFFFFFE40]  }
0x79: {  	v25 =	vld [tilespmem:s19+$0xFFFFFE40]  }
0x7a: {  	v26 =	vld [tilespmem:s31+$0xFFFFFE50]  }
0x7b: {  	v27 =	vld [tilespmem:s19+$0xFFFFFE50]  }
0x7c: {  	v28 =	vld [tilespmem:s31+$0xFFFFFE60]  }
0x7d: {  	v29 =	vld [tilespmem:s19+$0xFFFFFE60]  }
0x7e: {  	v30 =	vld [tilespmem:s31+$0xFFFFFE70]  }
0x7f: {  	v31 =	vld [tilespmem:s19+$0xFFFFFE70]  }
0x80: {  	v32 =	vld [tilespmem:s31+$0xFFFFFE80]  }
0x81: {  	v33 =	vld [tilespmem:s19+$0xFFFFFE80]  }
0x82: {  	v34 =	vld [tilespmem:s31+$0xFFFFFE90]  }
0x83: {  	v35 =	vld [tilespmem:s19+$0xFFFFFE90]  }
0x84: {  	v36 =	vld [tilespmem:s31+$0xFFFFFEA0]  }
0x85: {  	v37 =	vld [tilespmem:s19+$0xFFFFFEA0]  }
0x86: {  	v38 =	vld [tilespmem:s31+$0xFFFFFEB0]  }
0x87: {  	v39 =	vld [tilespmem:s19+$0xFFFFFEB0]  }
0x88: {  	v40 =	vld [tilespmem:s31+$0xFFFFFEC0]  }
0x89: {  	v41 =	vld [tilespmem:s19+$0xFFFFFEC0]  }
0x8a: {  	v42 =	vld [tilespmem:s31+$0xFFFFFED0]  }
0x8b: {  	v43 =	vld [tilespmem:s19+$0xFFFFFED0]  }
0x8c: {  	v0 =	vld [tilespmem:s31+$0xFFFFFEE0]  }
0x8d: {  	v44 =	vld [tilespmem:s19+$0xFFFFFEE0]  }
0x8e: {  	v45 =	vld [tilespmem:s31+$0xFFFFFEF0]  }
0x8f: {  	v46 =	vld [tilespmem:s19+$0xFFFFFEF0]  }
0x90: {  	v47 =	vld [tilespmem:s31+$0xFFFFFF00]  }
0x91: {  	v48 =	vld [tilespmem:s19+$0xFFFFFF00]  }
0x92: {  	v49 =	vld [tilespmem:s31+$0xFFFFFF10]  }
0x93: {  	v50 =	vld [tilespmem:s19+$0xFFFFFF10]  }
0x94: {  	v51 =	vld [tilespmem:s31+$0xFFFFFF20]  }
0x95: {  	v52 =	vld [tilespmem:s19+$0xFFFFFF20]  }
0x96: {  	v53 =	vld [tilespmem:s31+$0xFFFFFF30]  }
0x97: {  	v54 =	vld [tilespmem:s19+$0xFFFFFF30]  }
0x98: {  	v55 =	vld [tilespmem:s31+$0xFFFFFF40]  }
0x99: {  	v56 =	vld [tilespmem:s19+$0xFFFFFF40]  }
0x9a: {  	v57 =	vld [tilespmem:s31+$0xFFFFFF50]  }
0x9b: {  	v2 =	vld [tilespmem:s31+$0xFFFFFF80]  }
0x9c: {  	v58 =	vld [tilespmem:s19+$0xFFFFFF50]  }
0x9d: {  	v59 =	vld [tilespmem:s31+$0xFFFFFF60]  }
0x9e: {  	v60 =	vld [tilespmem:s19+$0xFFFFFF60]  }
0x9f: {  	v61 =	vld [tilespmem:s31+$0xFFFFFF70]  }
0xa0: {  	v62 =	vld [tilespmem:s19+$0xFFFFFF70];
	[tilespmem:$0x1FAA0] =	vst v2  }
0xa1: {  	v3 =	vld [tilespmem:s31+$0xFFFFFFA0];
	_ =	sdelay $0x2  }
0xa2: {  	v4 =	vld [tilespmem:s19+$0xFFFFFF80]  }
0xa3: {  	v7 =	vld [tilespmem:s31+$0xFFFFFF90]  }
0xa4: {  	v2 =	vld [tilespmem:s19+$0xFFFFFF90];
	[tilespmem:$0x1FAB0] =	vst v3  }
0xa5: {  	v63 =	vld [tilespmem:s31+$0xFFFFFFC0];
	_ =	sdelay $0x2  }
0xa6: {  	v5 =	vld [tilespmem:s19+$0xFFFFFFA0]  }
0xa7: {  	v6 =	vld [tilespmem:s31+$0xFFFFFFB0]  }
0xa8: {  	v3 =	vld [tilespmem:s19+$0xFFFFFFB0];
	[tilespmem:$0x1FAC0] =	vst v63  }
0xa9: {  	v63 =	vld [tilespmem:s19+$0xFFFFFFC0];
	_ =	sdelay $0x4  }
0xaa: {  	[tilespmem:$0x1FAD0] =	vst v63  }
0xab: {  	v63 =	vld [tilespmem:s31+$0xFFFFFFD0];
	_ =	sdelay $0x4  }
0xac: {  	[tilespmem:$0x1FAE0] =	vst v63  }
0xad: {  	v63 =	vld [tilespmem:s19+$0xFFFFFFD0];
	_ =	sdelay $0x4  }
0xae: {  	[tilespmem:$0x1FAF0] =	vst v63  }
0xaf: {  	v63 =	vld [tilespmem:s31+$0xFFFFFFE0];
	_ =	sdelay $0x4  }
0xb0: {  	[tilespmem:$0x1FB00] =	vst v63  }
0xb1: {  	v63 =	vld [tilespmem:s19+$0xFFFFFFE0];
	_ =	sdelay $0x4  }
0xb2: {  	[tilespmem:$0x1FB10] =	vst v63  }
0xb3: {  	v63 =	vld [tilespmem:s31+$0xFFFFFFF0];
	_ =	sdelay $0x4  }
0xb4: {  	[tilespmem:$0x1FB20] =	vst v63  }
0xb5: {  	v63 =	vld [tilespmem:s19+$0xFFFFFFF0];
	_ =	sdelay $0x2  }
0xb6: {  	v8 =	vmul.f32 v9, v8;
	v9 =	vmul.f32 v11, v10  }
0xb7: {  	v11 =	vmul.f32 v13, v12;
	v12 =	vmul.f32 v15, v14  }
0xb8: {  	v14 =	vmul.f32 v17, v16;
	v15 =	vmul.f32 v19, v18;
	[tilespmem:$0x1FB30] =	vst v63  }
0xb9: {  	v21 =	vmul.f32 v21, v20;
	v23 =	vmul.f32 v23, v22;
	v63 =	vld [tilespmem:s31+$0x0]  }
0xba: {  	v8 =	vadd.f32 v9, v8;
	v9 =	vadd.f32 v12, v11  }
0xbb: {  	v12 =	vadd.f32 v15, v14;
	v14 =	vadd.f32 v23, v21;
	_ =	sdelay $0x1  }
0xbc: {  	v8 =	vadd.f32 v9, v8;
	v12 =	vadd.f32 v14, v12  }
0xbd: {  	v14 =	vmul.f32 v25, v24;
	v17 =	vmul.f32 v27, v26;
	[tilespmem:$0x1FB40] =	vst v63  }
0xbe: {  	v8 =	vadd.f32 v12, v8;
	v12 =	vmul.f32 v33, v32;
	v35 =	vmul.f32 v35, v34;
	v63 =	vld [tilespmem:s19+$0x0]  }
0xbf: {  	v37 =	vmul.f32 v37, v36;
	v39 =	vmul.f32 v39, v38  }
0xc0: {  	v41 =	vmul.f32 v41, v40;
	v43 =	vmul.f32 v43, v42  }
0xc1: {  	v0 =	vmul.f32 v44, v0;
	v46 =	vmul.f32 v46, v45;
	v14 =	vadd.f32 v17, v14  }
0xc2: {  	v12 =	vadd.f32 v35, v12;
	v17 =	vadd.f32 v39, v37  }
0xc3: {  	v21 =	vadd.f32 v43, v41;
	v0 =	vadd.f32 v46, v0;
	[tilespmem:$0x1FB50] =	vst v63  }
0xc4: {  	v49 =	vmul.f32 v50, v49;
	v50 =	vmul.f32 v52, v51;
	v63 =	vld [tilespmem:s31+$0x10]  }
0xc5: {  	v51 =	vmul.f32 v54, v53;
	v12 =	vadd.f32 v17, v12;
	v0 =	vadd.f32 v0, v21  }
0xc6: {  	v52 =	vmul.f32 v56, v55;
	v53 =	vmul.f32 v58, v57  }
0xc7: {  	v54 =	vmul.f32 v60, v59;
	v55 =	vmul.f32 v62, v61;
	v0 =	vadd.f32 v0, v12;
	v12 =	vld [tilespmem:$0x1FAB0]  }
0xc8: {  	v48 =	vmul.f32 v48, v47;
	v56 =	vld [tilespmem:$0x1FAA0]  }
0xc9: {  	v27 =	vadd.f32 v55, v54;
	v21 =	vadd.f32 v53, v52;
	[tilespmem:$0x1FB60] =	vst v63  }
0xca: {  	v23 =	vadd.f32 v49, v48;
	v17 =	vadd.f32 v51, v50;
	v63 =	vld [tilespmem:s19+$0x10]  }
0xcb: {  	v57 =	vadd.f32 v27, v21;
	v60 =	vld [tilespmem:$0x1FAE0]  }
0xcc: {  	v5 =	vmul.f32 v5, v12;
	v3 =	vmul.f32 v3, v6;
	v12 =	vadd.f32 v17, v23;
	v61 =	vld [tilespmem:$0x1FAF0]  }
0xcd: {  	v4 =	vmul.f32 v4, v56  }
0xce: {  	v2 =	vmul.f32 v2, v7;
	v3 =	vadd.f32 v3, v5;
	v5 =	vadd.f32 v57, v12;
	v12 =	vld [tilespmem:$0x1FAC0]  }
0xcf: {  	v59 =	vld [tilespmem:$0x1FAD0];
	[tilespmem:$0x1FB70] =	vst v63  }
0xd0: {  	v2 =	vadd.f32 v2, v4;
	v63 =	vld [tilespmem:s31+$0x20]  }
0xd1: {  	v17 =	vmul.f32 v61, v60;
	v60 =	vld [tilespmem:$0x1FBB0]  }
0xd2: {  	v2 =	vadd.f32 v3, v2;
	v3 =	vld [tilespmem:$0x1FB00]  }
0xd3: {  	v39 =	vld [tilespmem:$0x1FB10]  }
0xd4: {  	v40 =	vld [tilespmem:$0x1FB20]  }
0xd5: {  	v41 =	vld [tilespmem:$0x1FB30];
	[tilespmem:$0x1FB90] =	vst v63  }
0xd6: {  	v63 =	vld [tilespmem:s19+$0x20]  }
0xd7: {  	v43 =	vld [tilespmem:$0x1FB40]  }
0xd8: {  	v44 =	vld [tilespmem:$0x1FB50]  }
0xd9: {  	v45 =	vld [tilespmem:$0x1FB60]  }
0xda: {  	v46 =	vld [tilespmem:$0x1FB70]  }
0xdb: {  	v49 =	vld [tilespmem:$0x1FB90];
	[tilespmem:$0x1FB80] =	vst v63  }
0xdc: {  	v63 =	vld [tilespmem:s31+$0x30]  }
0xdd: {  	v10 =	vld [tilespmem:s19+$0x30]  }
0xde: {  	v13 =	vld [tilespmem:s31+$0x40]  }
0xdf: {  	v16 =	vld [tilespmem:s19+$0x40]  }
0xe0: {  	v19 =	vld [tilespmem:s31+$0x50]  }
0xe1: {  	v11 =	vld [tilespmem:s19+$0x50]  }
0xe2: {  	v15 =	vld [tilespmem:s31+$0x60]  }
0xe3: {  	v9 =	vld [tilespmem:s19+$0x60]  }
0xe4: {  	v18 =	vld [tilespmem:s31+$0x70]  }
0xe5: {  	v22 =	vld [tilespmem:s19+$0x70]  }
0xe6: {  	v24 =	vld [tilespmem:s31+$0x80]  }
0xe7: {  	v29 =	vmul.f32 v29, v28;
	v31 =	vmul.f32 v31, v30;
	v26 =	vld [tilespmem:s19+$0x80]  }
0xe8: {  	v28 =	vld [tilespmem:s31+$0x90]  }
0xe9: {  	v20 =	vadd.f32 v31, v29;
	v29 =	vld [tilespmem:s19+$0x90]  }
0xea: {  	v25 =	vld [tilespmem:s31+$0xA0]  }
0xeb: {  	v30 =	vld [tilespmem:s19+$0xA0]  }
0xec: {  	v32 =	vld [tilespmem:s31+$0xB0]  }
0xed: {  	v34 =	vld [tilespmem:s19+$0xB0]  }
0xee: {  	v36 =	vld [tilespmem:s31+$0xC0]  }
0xef: {  	v31 =	vld [tilespmem:s19+$0xC0]  }
0xf0: {  	v7 =	vld [tilespmem:s31+$0xD0]  }
0xf1: {  	v6 =	vld [tilespmem:s19+$0xD0]  }
0xf2: {  	v58 =	vld [tilespmem:s31+$0xE0]  }
0xf3: {  	v4 =	vld [tilespmem:s19+$0xE0]  }
0xf4: {  	v62 =	vld [tilespmem:s31+$0xF0]  }
0xf5: {  	v48 =	vld [tilespmem:$0x1FB80]  }
0xf6: {  	v42 =	vld [tilespmem:s19+$0xF0]  }
0xf7: {  	v12 =	vmul.f32 v59, v12;
	v47 =	vld [tilespmem:s31+$0x100]  }
0xf8: {  	v3 =	vmul.f32 v39, v3;
	v27 =	vmul.f32 v41, v40;
	v50 =	vld [tilespmem:s19+$0x100]  }
0xf9: {  	v12 =	vadd.f32 v17, v12;
	v17 =	vmul.f32 v44, v43;
	v35 =	vmul.f32 v46, v45;
	v51 =	vld [tilespmem:s31+$0x110]  }
0xfa: {  	v3 =	vadd.f32 v27, v3;
	v52 =	vld [tilespmem:s19+$0x110];
	v27 =	vmul.f32 v48, v49;
	v10 =	vmul.f32 v10, v63  }
0xfb: {  	v54 =	vld [tilespmem:s31+$0x120];
	v13 =	vmul.f32 v16, v13;
	v11 =	vmul.f32 v11, v19  }
0xfc: {  	v57 =	vld [tilespmem:s19+$0x120];
	v9 =	vmul.f32 v9, v15;
	v15 =	vmul.f32 v22, v18  }
0xfd: {  	v3 =	vadd.f32 v3, v12;
	v12 =	vmul.f32 v26, v24;
	v6 =	vmul.f32 v6, v7;
	v7 =	vld [tilespmem:s31+$0x130]  }
0xfe: {  	v17 =	vadd.f32 v35, v17;
	v53 =	vmul.f32 v29, v28;
	v4 =	vmul.f32 v4, v58;
	v58 =	vld [tilespmem:s19+$0x130]  }
0xff: {  	v59 =	vld [tilespmem:s31+$0x140];
	v55 =	vmul.f32 v30, v25;
	v9 =	vadd.f32 v15, v9;
	v15 =	vmul.f32 v42, v62  }
0x100: {  	s20 =	simm.s32 $0x8640;
	v61 =	vld [tilespmem:s19+$0x150];
	v10 =	vadd.f32 v10, v27;
	v11 =	vadd.f32 v11, v13;
	v13 =	vmul.f32 v31, v36  }
0x101: {  	v56 =	vmul.f32 v34, v32;
	v12 =	vadd.f32 v53, v12;
	v4 =	vadd.f32 v15, v4;
	v15 =	vld [tilespmem:$0x1FBA0];
	[tilespmem:s20+$0x30] =	vst v8  }
0x102: {  	v10 =	vadd.f32 v10, v17;
	v6 =	vadd.f32 v6, v13;
	v13 =	vld [tilespmem:s19+$0x140];
	[tilespmem:s20+$0xFFFFFFD0] =	vst v0  }
0x103: {  	v17 =	vadd.f32 v56, v55;
	v0 =	vadd.f32 v3, v2;
	v3 =	vmul.f32 v58, v7;
	v7 =	vld [tilespmem:$0x1FBC0]  }
0x104: {  	v2 =	vmul.f32 v57, v54;
	v62 =	vld [tilespmem:$0x1FBD0];
	[tilespmem:s20+$0xFFFFFFE0] =	vst v5  }
0x105: {  	v9 =	vadd.f32 v9, v11;
	v11 =	vadd.f32 v17, v12;
	v12 =	vld [tilespmem:s31+$0x150];
	[tilespmem:s20+$0xFFFFFFF0] =	vst v0  }
0x106: {  	v63 =	vadd.f32 v3, v2;
	v2 =	vld [tilespmem:$0x1FBE0]  }
0x107: {  	v16 =	vmul.f32 v52, v51;
	v8 =	vmul.f32 v50, v47;
	v4 =	vadd.f32 v4, v6;
	v3 =	vld [tilespmem:$0x1FBF0]  }
0x108: {  	v6 =	vld [tilespmem:s31+$0x160];
	v5 =	vadd.f32 v9, v10  }
0x109: {  	v0 =	vadd.f32 v16, v8;
	v10 =	vadd.f32 v4, v11;
	v18 =	vmul.f32 v62, v7;
	v7 =	vld [tilespmem:s19+$0x160]  }
0x10a: {  	v8 =	vld [tilespmem:s31+$0x170];
	[tilespmem:s20+$0x0] =	vst v5;
	v15 =	vmul.f32 v60, v15  }
0x10b: {  	v9 =	vld [tilespmem:s19+$0x170];
	v4 =	vadd.f32 v20, v14;
	v5 =	vadd.f32 v63, v0;
	[tilespmem:s20+$0x10] =	vst v10;
	v10 =	vmul.f32 v13, v59  }
0x10c: {  	s21 =	simm.s32 $0x0;
	s22 =	sadd.s32 $0x400, s31;
	v11 =	vld [tilespmem:s31+$0xFFFFFE00];
	v12 =	vmul.f32 v61, v12;
	v2 =	vmul.f32 v3, v2;
	v3 =	vadd.f32 v18, v15  }
.LBB2_3:
0x10d: {  	v0 =	vld [tilespmem:s22+$0x180];
	s19 =	sadd.s32 $0x400, s19  }
0x10e: {  	v13 =	vld [tilespmem:s19+$0x180];
	v6 =	vmul.f32 v7, v6;
	v7 =	vadd.f32 v12, v10  }
0x10f: {  	v10 =	vld [tilespmem:s22+$0x190]  }
0x110: {  	v12 =	vld [tilespmem:s19+$0x190];
	v8 =	vmul.f32 v9, v8  }
0x111: {  	v9 =	vld [tilespmem:s22+$0x1A0];
	v1 =	vmul.f32 v1, v11  }
0x112: {  	v11 =	vld [tilespmem:s19+$0x1A0];
	v6 =	vadd.f32 v8, v6  }
0x113: {  	v8 =	vld [tilespmem:s22+$0x1B0];
	v1 =	vadd.f32 v2, v1  }
0x114: {  	v2 =	vld [tilespmem:s19+$0x1B0];
	v6 =	vadd.f32 v6, v7  }
0x115: {  	v7 =	vld [tilespmem:s22+$0x1C0];
	v1 =	vadd.f32 v3, v1  }
0x116: {  	v3 =	vld [tilespmem:s19+$0x1C0];
	v5 =	vadd.f32 v6, v5  }
0x117: {  	v6 =	vld [tilespmem:s22+$0x1D0];
	v1 =	vadd.f32 v4, v1  }
0x118: {  	v4 =	vld [tilespmem:s19+$0x1D0];
	[tilespmem:s20+$0x20] =	vst v5  }
0x119: {  	v5 =	vld [tilespmem:s22+$0x1E0];
	[tilespmem:s20+$0xFFFFFFC0] =	vst v1  }
0x11a: {  	v14 =	vld [tilespmem:s19+$0x1E0]  }
0x11b: {  	v15 =	vld [tilespmem:s22+$0x1F0]  }
0x11c: {  	s21 =	sadd.s32 $0x8, s21;
	v16 =	vld [tilespmem:s19+$0x1F0]  }
0x11d: {  	p1 =	slt.u32 s21, $0x38;
	v1 =	vld [tilespmem:s19+$0xFFFFFE00]  }
0x11e: {  	v0 =	vmul.f32 v13, v0;
	v10 =	vmul.f32 v12, v10;
	v17 =	vld [tilespmem:s22+$0xFFFFFE10]  }
0x11f: {  	v9 =	vmul.f32 v11, v9;
	v2 =	vmul.f32 v2, v8;
	v12 =	vld [tilespmem:s19+$0xFFFFFE10]  }
0x120: {  	v3 =	vmul.f32 v3, v7;
	v4 =	vmul.f32 v4, v6;
	v8 =	vld [tilespmem:s22+$0xFFFFFE20]  }
0x121: {  	v5 =	vmul.f32 v14, v5;
	v6 =	vld [tilespmem:s19+$0xFFFFFE20];
	v7 =	vmul.f32 v16, v15  }
0x122: {  	v0 =	vadd.f32 v10, v0;
	v9 =	vadd.f32 v2, v9;
	v11 =	vld [tilespmem:s22+$0xFFFFFE30]  }
0x123: {  	v3 =	vadd.f32 v4, v3;
	v10 =	vld [tilespmem:s19+$0xFFFFFE30];
	v4 =	vadd.f32 v7, v5  }
0x124: {  	v2 =	vmul.f32 v12, v17;
	v5 =	vld [tilespmem:s22+$0xFFFFFE40]  }
0x125: {  	v0 =	vadd.f32 v9, v0;
	v7 =	vld [tilespmem:s19+$0xFFFFFE40];
	v3 =	vadd.f32 v4, v3  }
0x126: {  	v4 =	vmul.f32 v6, v8;
	v6 =	vld [tilespmem:s22+$0xFFFFFE50]  }
0x127: {  	v8 =	vld [tilespmem:s19+$0xFFFFFE50];
	v0 =	vadd.f32 v3, v0  }
0x128: {  	s20 =	sadd.s32 $0x80, s20;
	v3 =	vmul.f32 v10, v11;
	v9 =	vld [tilespmem:s22+$0xFFFFFE60]  }
0x129: {  	v10 =	vld [tilespmem:s19+$0xFFFFFE60];
	[tilespmem:s20+$0x30] =	vst v0  }
0x12a: {  	v0 =	vmul.f32 v7, v5;
	v5 =	vld [tilespmem:s22+$0xFFFFFE70];
	v3 =	vadd.f32 v3, v4  }
0x12b: {  	v4 =	vld [tilespmem:s19+$0xFFFFFE70]  }
0x12c: {  	v6 =	vmul.f32 v8, v6;
	v7 =	vld [tilespmem:s22+$0xFFFFFE80]  }
0x12d: {  	v8 =	vld [tilespmem:s19+$0xFFFFFE80]  }
0x12e: {  	v9 =	vmul.f32 v10, v9;
	v0 =	vadd.f32 v6, v0;
	v6 =	vld [tilespmem:s22+$0xFFFFFE90]  }
0x12f: {  	v10 =	vld [tilespmem:s19+$0xFFFFFE90]  }
0x130: {  	v4 =	vmul.f32 v4, v5;
	v5 =	vld [tilespmem:s22+$0xFFFFFEA0]  }
0x131: {  	v11 =	vld [tilespmem:s19+$0xFFFFFEA0]  }
0x132: {  	v4 =	vadd.f32 v4, v9;
	v7 =	vmul.f32 v8, v7;
	v8 =	vld [tilespmem:s22+$0xFFFFFEB0]  }
0x133: {  	v9 =	vld [tilespmem:s19+$0xFFFFFEB0]  }
0x134: {  	v4 =	vadd.f32 v4, v0;
	v0 =	vmul.f32 v10, v6;
	v6 =	vld [tilespmem:s22+$0xFFFFFEC0]  }
0x135: {  	v10 =	vld [tilespmem:s19+$0xFFFFFEC0]  }
0x136: {  	v5 =	vmul.f32 v11, v5;
	v11 =	vld [tilespmem:s22+$0xFFFFFED0];
	v0 =	vadd.f32 v0, v7  }
0x137: {  	v7 =	vld [tilespmem:s19+$0xFFFFFED0]  }
0x138: {  	v8 =	vmul.f32 v9, v8;
	v9 =	vld [tilespmem:s22+$0xFFFFFEE0]  }
0x139: {  	v12 =	vld [tilespmem:s19+$0xFFFFFEE0]  }
0x13a: {  	v6 =	vmul.f32 v10, v6;
	v10 =	vld [tilespmem:s22+$0xFFFFFEF0];
	v5 =	vadd.f32 v8, v5  }
0x13b: {  	v8 =	vld [tilespmem:s19+$0xFFFFFEF0]  }
0x13c: {  	v7 =	vmul.f32 v7, v11;
	v0 =	vadd.f32 v5, v0;
	v5 =	vld [tilespmem:s22+$0xFFFFFF00]  }
0x13d: {  	v11 =	vld [tilespmem:s19+$0xFFFFFF00]  }
0x13e: {  	v9 =	vmul.f32 v12, v9;
	v6 =	vadd.f32 v7, v6;
	v7 =	vld [tilespmem:s22+$0xFFFFFF10]  }
0x13f: {  	v12 =	vld [tilespmem:s19+$0xFFFFFF10]  }
0x140: {  	v8 =	vmul.f32 v8, v10;
	v10 =	vld [tilespmem:s22+$0xFFFFFF20]  }
0x141: {  	v13 =	vld [tilespmem:s19+$0xFFFFFF20]  }
0x142: {  	v8 =	vadd.f32 v8, v9;
	v5 =	vmul.f32 v11, v5;
	v9 =	vld [tilespmem:s22+$0xFFFFFF30]  }
0x143: {  	v11 =	vld [tilespmem:s19+$0xFFFFFF30]  }
0x144: {  	v6 =	vadd.f32 v8, v6;
	v7 =	vmul.f32 v12, v7;
	v8 =	vld [tilespmem:s22+$0xFFFFFF40]  }
0x145: {  	v12 =	vld [tilespmem:s19+$0xFFFFFF40]  }
0x146: {  	v0 =	vadd.f32 v6, v0;
	v6 =	vmul.f32 v13, v10;
	v10 =	vld [tilespmem:s22+$0xFFFFFF50];
	v5 =	vadd.f32 v7, v5  }
0x147: {  	v7 =	vld [tilespmem:s19+$0xFFFFFF50]  }
0x148: {  	[tilespmem:s20+$0xFFFFFFD0] =	vst v0;
	v0 =	vmul.f32 v11, v9;
	v9 =	vld [tilespmem:s22+$0xFFFFFF60]  }
0x149: {  	v11 =	vld [tilespmem:s19+$0xFFFFFF60]  }
0x14a: {  	v8 =	vmul.f32 v12, v8;
	v12 =	vld [tilespmem:s22+$0xFFFFFF70];
	v0 =	vadd.f32 v0, v6  }
0x14b: {  	v6 =	vld [tilespmem:s19+$0xFFFFFF70]  }
0x14c: {  	v7 =	vmul.f32 v7, v10;
	v0 =	vadd.f32 v0, v5;
	v5 =	vld [tilespmem:s22+$0xFFFFFF80]  }
0x14d: {  	v10 =	vld [tilespmem:s19+$0xFFFFFF80]  }
0x14e: {  	v9 =	vmul.f32 v11, v9;
	v7 =	vadd.f32 v7, v8;
	v8 =	vld [tilespmem:s22+$0xFFFFFF90]  }
0x14f: {  	v11 =	vld [tilespmem:s19+$0xFFFFFF90]  }
0x150: {  	v6 =	vmul.f32 v6, v12;
	v12 =	vld [tilespmem:s22+$0xFFFFFFA0]  }
0x151: {  	v13 =	vld [tilespmem:s19+$0xFFFFFFA0]  }
0x152: {  	v6 =	vadd.f32 v6, v9;
	v5 =	vmul.f32 v10, v5;
	v9 =	vld [tilespmem:s22+$0xFFFFFFB0]  }
0x153: {  	v10 =	vld [tilespmem:s19+$0xFFFFFFB0]  }
0x154: {  	v6 =	vadd.f32 v6, v7;
	v7 =	vmul.f32 v11, v8;
	v8 =	vld [tilespmem:s22+$0xFFFFFFC0]  }
0x155: {  	v11 =	vld [tilespmem:s19+$0xFFFFFFC0]  }
0x156: {  	v0 =	vadd.f32 v6, v0;
	v6 =	vmul.f32 v13, v12;
	v12 =	vld [tilespmem:s22+$0xFFFFFFD0];
	v5 =	vadd.f32 v7, v5  }
0x157: {  	v7 =	vld [tilespmem:s19+$0xFFFFFFD0]  }
0x158: {  	[tilespmem:s20+$0xFFFFFFE0] =	vst v0;
	v0 =	vmul.f32 v10, v9;
	v9 =	vld [tilespmem:s22+$0xFFFFFFE0]  }
0x159: {  	v10 =	vld [tilespmem:s19+$0xFFFFFFE0]  }
0x15a: {  	v8 =	vmul.f32 v11, v8;
	v11 =	vld [tilespmem:s22+$0xFFFFFFF0];
	v0 =	vadd.f32 v0, v6  }
0x15b: {  	v6 =	vld [tilespmem:s19+$0xFFFFFFF0]  }
0x15c: {  	v7 =	vmul.f32 v7, v12;
	v0 =	vadd.f32 v0, v5;
	v5 =	vld [tilespmem:s22+$0x0]  }
0x15d: {  	v12 =	vld [tilespmem:s19+$0x0]  }
0x15e: {  	v9 =	vmul.f32 v10, v9;
	v7 =	vadd.f32 v7, v8;
	v8 =	vld [tilespmem:s22+$0x10]  }
0x15f: {  	v10 =	vld [tilespmem:s19+$0x10]  }
0x160: {  	v6 =	vmul.f32 v6, v11;
	v11 =	vld [tilespmem:s22+$0x20]  }
0x161: {  	v13 =	vld [tilespmem:s19+$0x20]  }
0x162: {  	v6 =	vadd.f32 v6, v9;
	v5 =	vmul.f32 v12, v5;
	v9 =	vld [tilespmem:s22+$0x30]  }
0x163: {  	v12 =	vld [tilespmem:s19+$0x30]  }
0x164: {  	v6 =	vadd.f32 v6, v7;
	v7 =	vmul.f32 v10, v8;
	v8 =	vld [tilespmem:s22+$0x40]  }
0x165: {  	v10 =	vld [tilespmem:s19+$0x40]  }
0x166: {  	v0 =	vadd.f32 v6, v0;
	v6 =	vmul.f32 v13, v11;
	v11 =	vld [tilespmem:s22+$0x50];
	v5 =	vadd.f32 v7, v5  }
0x167: {  	v7 =	vld [tilespmem:s19+$0x50]  }
0x168: {  	[tilespmem:s20+$0xFFFFFFF0] =	vst v0;
	v0 =	vmul.f32 v12, v9;
	v9 =	vld [tilespmem:s22+$0x60]  }
0x169: {  	v12 =	vld [tilespmem:s19+$0x60]  }
0x16a: {  	v8 =	vmul.f32 v10, v8;
	v10 =	vld [tilespmem:s22+$0x70];
	v0 =	vadd.f32 v0, v6  }
0x16b: {  	v6 =	vld [tilespmem:s19+$0x70]  }
0x16c: {  	v7 =	vmul.f32 v7, v11;
	v0 =	vadd.f32 v0, v5;
	v5 =	vld [tilespmem:s22+$0x80]  }
0x16d: {  	v11 =	vld [tilespmem:s19+$0x80]  }
0x16e: {  	v9 =	vmul.f32 v12, v9;
	v7 =	vadd.f32 v7, v8;
	v8 =	vld [tilespmem:s22+$0x90]  }
0x16f: {  	v12 =	vld [tilespmem:s19+$0x90]  }
0x170: {  	v6 =	vmul.f32 v6, v10;
	v10 =	vld [tilespmem:s22+$0xA0]  }
0x171: {  	v13 =	vld [tilespmem:s19+$0xA0]  }
0x172: {  	v6 =	vadd.f32 v6, v9;
	v5 =	vmul.f32 v11, v5;
	v9 =	vld [tilespmem:s22+$0xB0]  }
0x173: {  	v11 =	vld [tilespmem:s19+$0xB0]  }
0x174: {  	v6 =	vadd.f32 v6, v7;
	v7 =	vmul.f32 v12, v8;
	v8 =	vld [tilespmem:s22+$0xC0]  }
0x175: {  	v12 =	vld [tilespmem:s19+$0xC0]  }
0x176: {  	v0 =	vadd.f32 v6, v0;
	v6 =	vmul.f32 v13, v10;
	v10 =	vld [tilespmem:s22+$0xD0];
	v5 =	vadd.f32 v7, v5  }
0x177: {  	v7 =	vld [tilespmem:s19+$0xD0]  }
0x178: {  	[tilespmem:s20+$0x0] =	vst v0;
	v0 =	vmul.f32 v11, v9;
	v9 =	vld [tilespmem:s22+$0xE0]  }
0x179: {  	v11 =	vld [tilespmem:s19+$0xE0]  }
0x17a: {  	v8 =	vmul.f32 v12, v8;
	v12 =	vld [tilespmem:s22+$0xF0];
	v0 =	vadd.f32 v0, v6  }
0x17b: {  	v6 =	vld [tilespmem:s19+$0xF0]  }
0x17c: {  	v7 =	vmul.f32 v7, v10;
	v0 =	vadd.f32 v0, v5;
	v5 =	vld [tilespmem:s22+$0x100]  }
0x17d: {  	v10 =	vld [tilespmem:s19+$0x100]  }
0x17e: {  	v9 =	vmul.f32 v11, v9;
	v7 =	vadd.f32 v7, v8;
	v8 =	vld [tilespmem:s22+$0x110]  }
0x17f: {  	v11 =	vld [tilespmem:s19+$0x110]  }
0x180: {  	v6 =	vmul.f32 v6, v12;
	v12 =	vld [tilespmem:s22+$0x120]  }
0x181: {  	v13 =	vld [tilespmem:s19+$0x120]  }
0x182: {  	v6 =	vadd.f32 v6, v9;
	v5 =	vmul.f32 v10, v5;
	v9 =	vld [tilespmem:s22+$0x130]  }
0x183: {  	v10 =	vld [tilespmem:s19+$0x130]  }
0x184: {  	v6 =	vadd.f32 v6, v7;
	v7 =	vmul.f32 v11, v8;
	v8 =	vld [tilespmem:s22+$0x140]  }
0x185: {  	v11 =	vld [tilespmem:s19+$0x140]  }
0x186: {  	v0 =	vadd.f32 v6, v0;
	v12 =	vmul.f32 v13, v12;
	v13 =	vld [tilespmem:s22+$0x150];
	v5 =	vadd.f32 v7, v5  }
0x187: {  	v14 =	vld [tilespmem:s19+$0x150]  }
.Ltmp0:
0x188: {  	[tilespmem:s20+$0x10] =	vst v0;
	v0 =	vmul.f32 v10, v9;
	v6 =	vld [tilespmem:s22+$0x160];
	(pc) =	sbr.rel @p1 .LBB2_3-.Ltmp0, $4  }
0x189: {  	v7 =	vld [tilespmem:s19+$0x160]  }
0x18a: {  	v10 =	vmul.f32 v11, v8;
	v8 =	vld [tilespmem:s22+$0x170];
	v0 =	vadd.f32 v0, v12  }
0x18b: {  	v9 =	vld [tilespmem:s19+$0x170]  }
0x18c: {  	v11 =	vld [tilespmem:s22+$0xFFFFFE00];
	v12 =	vmul.f32 v14, v13;
	v5 =	vadd.f32 v0, v5;
	s22 =	sadd.s32 $0x400, s22  }
0x18d: {  	_ =	sdelay $0x2  }
0x18e: {  	v0 =	vmul.f32 v7, v6;
	v43 =	vmul.f32 v9, v8  }
0x18f: {  	v1 =	vmul.f32 v1, v11  }
0x190: {  	v44 =	vadd.f32 v12, v10;
	v0 =	vadd.f32 v43, v0  }
0x191: {  	v1 =	vadd.f32 v2, v1  }
0x192: {  	v0 =	vadd.f32 v0, v44  }
0x193: {  	v1 =	vadd.f32 v3, v1  }
0x194: {  	v0 =	vadd.f32 v0, v5  }
0x195: {  	v1 =	vadd.f32 v4, v1  }
0x196: {  	[tilespmem:s20+$0x20] =	vst v0  }
0x197: {  	[tilespmem:s20+$0xFFFFFFC0] =	vst v1  }
0x198: {  	v0 =	vld [tilespmem:$0x1FFE0]  }
0x199: {  	v1 =	vld [tilespmem:$0x1FC00]  }
0x19a: {  	v45 =	vld [tilespmem:$0x1FC10]  }
0x19b: {  	v46 =	vld [tilespmem:$0x1FC20]  }
0x19c: {  	v47 =	vld [tilespmem:$0x1FC30]  }
0x19d: {  	v48 =	vld [tilespmem:$0x1FC40]  }
0x19e: {  	v49 =	vld [tilespmem:$0x1FC50]  }
0x19f: {  	v50 =	vld [tilespmem:$0x1FC60]  }
0x1a0: {  	v51 =	vld [tilespmem:$0x1FC70]  }
0x1a1: {  	v52 =	vld [tilespmem:$0x1FC80]  }
0x1a2: {  	v53 =	vld [tilespmem:$0x1FC90]  }
0x1a3: {  	v54 =	vld [tilespmem:$0x1FCA0]  }
0x1a4: {  	v55 =	vld [tilespmem:$0x1FCB0]  }
0x1a5: {  	v13 =	vld [tilespmem:$0x1FCC0]  }
0x1a6: {  	v14 =	vld [tilespmem:$0x1FCD0]  }
0x1a7: {  	v15 =	vld [tilespmem:$0x1FCE0]  }
0x1a8: {  	v16 =	vld [tilespmem:$0x1FCF0]  }
0x1a9: {  	v17 =	vld [tilespmem:$0x1FD00]  }
0x1aa: {  	v18 =	vld [tilespmem:$0x1FD10]  }
0x1ab: {  	v19 =	vld [tilespmem:$0x1FD20]  }
0x1ac: {  	v20 =	vld [tilespmem:$0x1FD30]  }
0x1ad: {  	v21 =	vld [tilespmem:$0x1FD40]  }
0x1ae: {  	v22 =	vld [tilespmem:$0x1FD50]  }
0x1af: {  	v23 =	vld [tilespmem:$0x1FD60]  }
0x1b0: {  	v24 =	vld [tilespmem:$0x1FD70]  }
0x1b1: {  	v25 =	vld [tilespmem:$0x1FD80]  }
0x1b2: {  	v26 =	vld [tilespmem:$0x1FD90]  }
0x1b3: {  	v27 =	vld [tilespmem:$0x1FDA0]  }
0x1b4: {  	v28 =	vld [tilespmem:$0x1FDB0]  }
0x1b5: {  	v29 =	vld [tilespmem:$0x1FDC0]  }
0x1b6: {  	v30 =	vld [tilespmem:$0x1FDD0]  }
0x1b7: {  	v31 =	vld [tilespmem:$0x1FDE0]  }
0x1b8: {  	v32 =	vld [tilespmem:$0x1FDF0]  }
0x1b9: {  	v33 =	vld [tilespmem:$0x1FE00]  }
0x1ba: {  	v34 =	vld [tilespmem:$0x1FE10]  }
0x1bb: {  	v35 =	vld [tilespmem:$0x1FE20]  }
0x1bc: {  	v36 =	vld [tilespmem:$0x1FE30]  }
0x1bd: {  	v37 =	vld [tilespmem:$0x1FE40]  }
0x1be: {  	v38 =	vld [tilespmem:$0x1FE50]  }
0x1bf: {  	v39 =	vld [tilespmem:$0x1FE60]  }
0x1c0: {  	v40 =	vld [tilespmem:$0x1FE70]  }
0x1c1: {  	v41 =	vld [tilespmem:$0x1FE80]  }
0x1c2: {  	v42 =	vld [tilespmem:$0x1FE90]  }
0x1c3: {  	v57 =	vld [tilespmem:$0x1FEA0]  }
0x1c4: {  	v60 =	vld [tilespmem:$0x1FEB0]  }
0x1c5: {  	v63 =	vld [tilespmem:$0x1FEC0]  }
0x1c6: {  	v43 =	vld [tilespmem:$0x1FED0]  }
0x1c7: {  	v0 =	vld.idx.msk [tilespmem:v0+s14+$0x0], $0xffff  }
0x1c8: {  	v1 =	vld.idx.msk [tilespmem:v1+s14+$0x0], $0xffff  }
0x1c9: {  	v2 =	vld.idx.msk [tilespmem:v45+s14+$0x0], $0xffff  }
0x1ca: {  	v3 =	vld.idx.msk [tilespmem:v46+s14+$0x0], $0xffff  }
0x1cb: {  	v4 =	vld.idx.msk [tilespmem:v47+s14+$0x0], $0xffff  }
0x1cc: {  	v5 =	vld.idx.msk [tilespmem:v48+s14+$0x0], $0xffff  }
0x1cd: {  	v6 =	vld.idx.msk [tilespmem:v49+s14+$0x0], $0xffff  }
0x1ce: {  	v7 =	vld.idx.msk [tilespmem:v50+s14+$0x0], $0xffff  }
0x1cf: {  	v8 =	vld.idx.msk [tilespmem:v51+s14+$0x0], $0xffff  }
0x1d0: {  	v9 =	vld.idx.msk [tilespmem:v52+s14+$0x0], $0xffff  }
0x1d1: {  	v10 =	vld.idx.msk [tilespmem:v53+s14+$0x0], $0xffff  }
0x1d2: {  	v11 =	vld.idx.msk [tilespmem:v54+s14+$0x0], $0xffff  }
0x1d3: {  	v12 =	vld.idx.msk [tilespmem:v55+s14+$0x0], $0xffff  }
0x1d4: {  	v13 =	vld.idx.msk [tilespmem:v13+s14+$0x0], $0xffff  }
0x1d5: {  	v14 =	vld.idx.msk [tilespmem:v14+s14+$0x0], $0xffff  }
0x1d6: {  	v15 =	vld.idx.msk [tilespmem:v15+s14+$0x0], $0xffff  }
0x1d7: {  	v16 =	vld.idx.msk [tilespmem:v16+s14+$0x0], $0xffff  }
0x1d8: {  	v17 =	vld.idx.msk [tilespmem:v17+s14+$0x0], $0xffff  }
0x1d9: {  	v18 =	vld.idx.msk [tilespmem:v18+s14+$0x0], $0xffff  }
0x1da: {  	v19 =	vld.idx.msk [tilespmem:v19+s14+$0x0], $0xffff  }
0x1db: {  	v20 =	vld.idx.msk [tilespmem:v20+s14+$0x0], $0xffff  }
0x1dc: {  	v21 =	vld.idx.msk [tilespmem:v21+s14+$0x0], $0xffff  }
0x1dd: {  	v22 =	vld.idx.msk [tilespmem:v22+s14+$0x0], $0xffff  }
0x1de: {  	v23 =	vld.idx.msk [tilespmem:v23+s14+$0x0], $0xffff  }
0x1df: {  	v24 =	vld.idx.msk [tilespmem:v24+s14+$0x0], $0xffff  }
0x1e0: {  	v25 =	vld.idx.msk [tilespmem:v25+s14+$0x0], $0xffff  }
0x1e1: {  	v26 =	vld.idx.msk [tilespmem:v26+s14+$0x0], $0xffff  }
0x1e2: {  	v27 =	vld.idx.msk [tilespmem:v27+s14+$0x0], $0xffff  }
0x1e3: {  	v28 =	vld.idx.msk [tilespmem:v28+s14+$0x0], $0xffff  }
0x1e4: {  	v29 =	vld.idx.msk [tilespmem:v29+s14+$0x0], $0xffff  }
0x1e5: {  	v30 =	vld.idx.msk [tilespmem:v30+s14+$0x0], $0xffff  }
0x1e6: {  	v31 =	vld.idx.msk [tilespmem:v31+s14+$0x0], $0xffff  }
0x1e7: {  	v32 =	vld.idx.msk [tilespmem:v32+s14+$0x0], $0xffff  }
0x1e8: {  	v33 =	vld.idx.msk [tilespmem:v33+s14+$0x0], $0xffff  }
0x1e9: {  	v34 =	vld.idx.msk [tilespmem:v34+s14+$0x0], $0xffff  }
0x1ea: {  	v35 =	vld.idx.msk [tilespmem:v35+s14+$0x0], $0xffff  }
0x1eb: {  	v36 =	vld.idx.msk [tilespmem:v36+s14+$0x0], $0xffff  }
0x1ec: {  	v37 =	vld.idx.msk [tilespmem:v37+s14+$0x0], $0xffff  }
0x1ed: {  	v38 =	vld.idx.msk [tilespmem:v38+s14+$0x0], $0xffff  }
0x1ee: {  	v39 =	vld.idx.msk [tilespmem:v39+s14+$0x0], $0xffff  }
0x1ef: {  	v40 =	vld.idx.msk [tilespmem:v40+s14+$0x0], $0xffff  }
0x1f0: {  	v41 =	vld.idx.msk [tilespmem:v41+s14+$0x0], $0xffff  }
0x1f1: {  	v42 =	vld.idx.msk [tilespmem:v42+s14+$0x0], $0xffff  }
0x1f2: {  	v45 =	vld [tilespmem:$0x1FEE0]  }
0x1f3: {  	v48 =	vld [tilespmem:$0x1FEF0]  }
0x1f4: {  	v51 =	vld [tilespmem:$0x1FF00]  }
0x1f5: {  	v54 =	vld [tilespmem:$0x1FF10]  }
0x1f6: {  	v56 =	vadd.f32 v3, v2;
	v2 =	vld.idx.msk [tilespmem:v57+s14+$0x0], $0xffff  }
0x1f7: {  	v58 =	vadd.f32 v5, v4;
	v5 =	vld.idx.msk [tilespmem:v60+s14+$0x0], $0xffff  }
0x1f8: {  	v61 =	vadd.f32 v9, v8;
	v8 =	vld.idx.msk [tilespmem:v63+s14+$0x0], $0xffff  }
0x1f9: {  	v62 =	vadd.f32 v11, v10;
	v11 =	vld.idx.msk [tilespmem:v43+s14+$0x0], $0xffff  }
0x1fa: {  	v57 =	vld [tilespmem:$0x1FF20]  }
0x1fb: {  	v60 =	vld [tilespmem:$0x1FF30]  }
0x1fc: {  	v53 =	vadd.f32 v23, v22;
	v23 =	vld [tilespmem:$0x1FF50]  }
0x1fd: {  	v59 =	vadd.f32 v7, v6;
	v55 =	vadd.f32 v25, v24;
	v25 =	vld [tilespmem:$0x1FF60]  }
0x1fe: {  	v46 =	vadd.f32 v62, v61;
	v62 =	vld [tilespmem:$0x1FF40]  }
0x1ff: {  	v44 =	vadd.f32 v59, v58;
	v58 =	vadd.f32 v29, v28;
	v28 =	vld [tilespmem:$0x1FF70]  }
0x200: {  	v49 =	vadd.f32 v17, v16;
	v50 =	vadd.f32 v19, v18;
	v29 =	vld [tilespmem:$0x1FF80]  }
0x201: {  	v52 =	vadd.f32 v21, v20;
	v59 =	vadd.f32 v31, v30;
	v31 =	vld [tilespmem:$0x1FF90]  }
0x202: {  	v9 =	vadd.f32 v50, v49;
	v50 =	vld [tilespmem:$0x1FFC0]  }
0x203: {  	v61 =	vadd.f32 v53, v52;
	v53 =	vld [tilespmem:$0x1FFF0]  }
0x204: {  	v3 =	vld.idx.msk [tilespmem:v45+s14+$0x0], $0xffff  }
0x205: {  	v13 =	vadd.f32 v13, v12;
	v15 =	vadd.f32 v15, v14;
	v7 =	vld.idx.msk [tilespmem:v48+s14+$0x0], $0xffff  }
0x206: {  	v12 =	vld.idx.msk [tilespmem:v51+s14+$0x0], $0xffff  }
0x207: {  	v47 =	vadd.f32 v15, v13;
	v15 =	vld.idx.msk [tilespmem:v54+s14+$0x0], $0xffff  }
0x208: {  	v45 =	vld [tilespmem:$0x1FFA0]  }
0x209: {  	v48 =	vld [tilespmem:$0x1FFB0]  }
0x20a: {  	v51 =	vld [tilespmem:$0x1FFD0]  }
0x20b: {  	v18 =	vld.idx.msk [tilespmem:v57+s14+$0x0], $0xffff  }
0x20c: {  	v0 =	vadd.f32 v1, v0;
	v21 =	vld.idx.msk [tilespmem:v60+s14+$0x0], $0xffff  }
0x20d: {  	v17 =	vld.idx.msk [tilespmem:v23+s14+$0x0], $0xffff  }
0x20e: {  	v0 =	vadd.f32 v56, v0;
	v56 =	vadd.f32 v27, v26;
	v4 =	vld.idx.msk [tilespmem:v25+s14+$0x0], $0xffff  }
0x20f: {  	v43 =	vadd.f32 v33, v32;
	v49 =	vadd.f32 v41, v40;
	v13 =	vld.idx.msk [tilespmem:v62+s14+$0x0], $0xffff  }
0x210: {  	v63 =	vadd.f32 v56, v55;
	v22 =	vadd.f32 v59, v58;
	v10 =	vld.idx.msk [tilespmem:v28+s14+$0x0], $0xffff  }
0x211: {  	v0 =	vadd.f32 v44, v0;
	v24 =	vadd.f32 v47, v46;
	v14 =	vld.idx.msk [tilespmem:v29+s14+$0x0], $0xffff  }
0x212: {  	v26 =	vadd.f32 v61, v9;
	v44 =	vadd.f32 v35, v34;
	v6 =	vld.idx.msk [tilespmem:v31+s14+$0x0], $0xffff  }
0x213: {  	v46 =	vadd.f32 v37, v36;
	v47 =	vadd.f32 v39, v38;
	v25 =	vld.idx.msk [tilespmem:v50+s14+$0x0], $0xffff  }
0x214: {  	v2 =	vadd.f32 v2, v42;
	v5 =	vadd.f32 v8, v5;
	v16 =	vld.idx.msk [tilespmem:v53+s14+$0x0], $0xffff  }
0x215: {  	v27 =	vadd.f32 v22, v63;
	v0 =	vadd.f32 v24, v0;
	v19 =	vld.idx.msk [tilespmem:v45+s14+$0x0], $0xffff  }
0x216: {  	v9 =	vadd.f32 v44, v43;
	v52 =	vadd.f32 v47, v46;
	v23 =	vld.idx.msk [tilespmem:v48+s14+$0x0], $0xffff  }
0x217: {  	v2 =	vadd.f32 v2, v49;
	v3 =	vadd.f32 v3, v11;
	v8 =	vld.idx.msk [tilespmem:v51+s14+$0x0], $0xffff  }
0x218: {  	v30 =	vadd.f32 v27, v26;
	v54 =	vadd.f32 v12, v7  }
0x219: {  	v3 =	vadd.f32 v3, v5;
	v55 =	vadd.f32 v18, v15  }
0x21a: {  	v4 =	vadd.f32 v4, v17;
	v56 =	vadd.f32 v13, v21  }
0x21b: {  	v10 =	vadd.f32 v14, v10;
	v6 =	vadd.f32 v19, v6  }
0x21c: {  	v57 =	vadd.f32 v25, v23;
	v8 =	vadd.f32 v16, v8  }
0x21d: {  	v5 =	vadd.f32 v55, v54;
	v4 =	vadd.f32 v4, v56  }
0x21e: {  	v6 =	vadd.f32 v6, v10;
	v58 =	vadd.f32 v8, v57  }
0x21f: {  	s18 =	sshll.u32 s18, $0x6;
	p1 =	sne.s32 s17, $0x8;
	v59 =	vadd.f32 v52, v9;
	v2 =	vadd.f32 v3, v2  }
.Ltmp1:
0x220: {  	s18 =	sand.u32 $0x3FFFFFC0, s18;
	v60 =	vadd.f32 v4, v5;
	v61 =	vadd.f32 v58, v6;
	(pc) =	sbr.rel @p1 .LBB2_2-.Ltmp1, $4  }
0x221: {  	[tilespmem:s18+$0x8400] =	vst v0;
	v62 =	vadd.f32 v2, v59  }
0x222: {  	[tilespmem:s18+$0x8410] =	vst v30;
	v63 =	vadd.f32 v61, v60  }
0x223: {  	[tilespmem:s18+$0x8420] =	vst v62  }
0x224: {  	p0 =	por !p0, !p0;
	[tilespmem:s18+$0x8430] =	vst v63;
	s18 =	smov.u32 s17  }
0x225: {  	s16 =	sadd.s32 $0x1, s16  }
0x226: {  	p0 =	sne.s32 s16, s8  }
.Ltmp2:
0x227: {  	_ = 	snop;
	(pc) =	sbr.rel @p0 .LBB2_1-.Ltmp2, $4  }
0x228: {  	[hbm4b:s7+s3] =	stream.linear.scatter [tilespmem:s15], [sflag:$0x5], $0x200, $0x38;
	[tilespmem:$0x8A00] =	vst v63  }
0x229: {  	_ =	swait.ge [sflag:s9], $0x200  }
0x22a: {  	[sflag:s9] =	ssyncset.done $0x0  }
0x22b: {  	[sflag:s9] =	ssyncadd.s32 $0xFFFFFE00  }
0x22c: {  	_ =	sfence.sel $0x180000  }
0x22d: {  	[bflag:$0x0] =	sbarrier.arrive $0xFFFF  }
0x22e: {  	p0 =	sne.s32 s4, $0x0;
	_ =	strace $0x90000047  }
0x22f: {  	s0 =	sadd.s32 @!p0 $0x100000, s2;
	[bflag:$0x2] =	sbarrier.arrive $0xFFFF  }
0x230: {  	[sflag:s0] =	ssyncadd.tile.s32 @!p0 $0x1;
	_ =	shalt  }
.Lfunc_end2:
_tile_overlayer_lowered:
.L_overlay_start_2:
0x231: {  	(tag) =	ssettag $0x2  }
0x232: {  	s0 =	rddreg [dreg:$0x0];
	s2 =	stileid.u32  }
0x233: {  	s1 =	rddreg [dreg:$0x1];
	p0 =	sne.s32 s2, $0x0  }
0x234: {  	s3 =	rddreg [dreg:$0x2];
	[bflag:$0x3] =	sbarrier.arrive $0xFFFF;
	s2 =	simm.s32 @!p0 $0x1C05  }
0x235: {  	[timem:s3], [sflag:s2] =	dma.local @!p0 [hbm:s0], s1  }
0x236: {  	s0 =	simm.s32 @!p0 $0x5  }
0x237: {  	_ =	swait.ge @!p0 [sflag:s0], s1  }
0x238: {  	s1 =	ssub.s32 @!p0 $0x0, s1;
	[sflag:s0] =	ssyncset.done @!p0 $0x0  }
0x239: {  	[sflag:s0] =	ssyncadd.s32 @!p0 s1  }
0x23a: {  	[bflag:$0x3] =	sbarrier.arrive $0xFFFF  }
0x23b: {  	_ =	shalt  }

</sc_bundles>
